<compile_context>
chip_gen: v7x
topology: tpu7x:2x2x1
jax: 0.10.2.dev20260603
libtpu: 0.0.44.dev20260713+nightly
codegen_flags: <defaults>
</compile_context>

<pallas_src>
import functools

import jax
import jax.numpy as jnp
from jax import lax
from jax.experimental import pallas as pl
from jax.experimental.pallas import tpu as pltpu
from jax.experimental.pallas import tpu_sc as plsc

NC = 2
NS = 16
NW = NC * NS
EPB = 128
RING = 4
AGG_GM = 1


def _cdiv(a, b):
    return (a + b - 1) // b




def _make_deg_kernel(n_pad, nbt):
    rpt = n_pad // NS
    mesh = plsc.VectorSubcoreMesh(core_axis_name="c", subcore_axis_name="s")

    @functools.partial(
        pl.kernel,
        out_type=jax.ShapeDtypeStruct((NC, n_pad, 16), jnp.float32),
        mesh=mesh,
        compiler_params=pltpu.CompilerParams(use_tc_tiling_on_sc=False),
        scratch_types=[
            pltpu.VMEM((nbt, EPB), jnp.int32),
            pltpu.VMEM((EPB, 16), jnp.float32),
            pltpu.VMEM_SHARED((n_pad, 16), jnp.float32),
            pltpu.SemaphoreType.DMA,
            pltpu.SemaphoreType.DMA,
        ],
    )
    def deg_kernel(dst_hbm, z16_hbm, ones_hbm, out_hbm, idx_v, ones_v, acc,
                   isem, ssem):
        c = lax.axis_index("c")
        s = lax.axis_index("s")
        wid = c * NS + s
        pltpu.async_copy(dst_hbm.at[pl.ds(wid * nbt, nbt)], idx_v, isem)
        pltpu.sync_copy(ones_hbm, ones_v)
        pltpu.sync_copy(z16_hbm.at[pl.ds(s * rpt, rpt)],
                        acc.at[pl.ds(s * rpt, rpt)])
        pltpu.make_async_copy(dst_hbm.at[pl.ds(wid * nbt, nbt)], idx_v,
                              isem).wait()
        plsc.subcore_barrier()

        @pl.loop(0, nbt)
        def _(b):
            pltpu.sync_copy(ones_v, acc.at[idx_v.at[b]], add=True)

        plsc.subcore_barrier()
        pltpu.sync_copy(acc.at[pl.ds(s * rpt, rpt)],
                        out_hbm.at[c, pl.ds(s * rpt, rpt)])

    return deg_kernel


def _make_agg_kernel(n_pad, nbt, hf, gm=1):
    rpt = n_pad // NS
    nbg = nbt // gm
    gw = gm * EPB
    mesh = plsc.VectorSubcoreMesh(core_axis_name="c", subcore_axis_name="s")

    @functools.partial(
        pl.kernel,
        out_type=jax.ShapeDtypeStruct((NC, n_pad, hf), jnp.float32),
        mesh=mesh,
        compiler_params=pltpu.CompilerParams(use_tc_tiling_on_sc=False),
        scratch_types=(
            [pltpu.VMEM((nbg, gw), jnp.int32),
             pltpu.VMEM((nbt, EPB), jnp.int32)]
            + [pltpu.VMEM((gw, hf), jnp.float32)] * RING
            + [pltpu.SemaphoreType.DMA] * (RING + 1)
            + [pltpu.VMEM_SHARED((n_pad, hf), jnp.float32)]
        ),
    )
    def agg_kernel(h_hbm, src_hbm, dst_hbm, z_hbm, out_hbm, *refs):
        src_v, dst_v = refs[0], refs[1]
        rows = refs[2:2 + RING]
        gsem = refs[2 + RING:2 + 2 * RING]
        isem = refs[2 + 2 * RING]
        acc = refs[3 + 2 * RING]
        c = lax.axis_index("c")
        s = lax.axis_index("s")
        pltpu.async_copy(src_hbm.at[c, pl.ds(s * nbg, nbg)], src_v, isem)
        pltpu.async_copy(dst_hbm.at[pl.ds(s * nbt, nbt)], dst_v, isem)
        pltpu.sync_copy(z_hbm.at[pl.ds(s * rpt, rpt)],
                        acc.at[pl.ds(s * rpt, rpt)])
        pltpu.make_async_copy(src_hbm.at[c, pl.ds(s * nbg, nbg)], src_v,
                              isem).wait()
        pltpu.make_async_copy(dst_hbm.at[pl.ds(s * nbt, nbt)], dst_v,
                              isem).wait()
        plsc.subcore_barrier()

        for j in range(RING):
            pltpu.make_async_copy(h_hbm.at[src_v.at[j]], rows[j],
                                  gsem[j]).start()

        n_outer = nbg // RING

        @pl.loop(0, n_outer)
        def _(o):
            for j in range(RING):
                g = o * RING + j
                pltpu.make_async_copy(h_hbm.at[src_v.at[g]], rows[j],
                                      gsem[j]).wait()
                for k in range(gm):
                    pltpu.sync_copy(rows[j].at[pl.ds(k * EPB, EPB)],
                                    acc.at[dst_v.at[g * gm + k]], add=True)

                @pl.when(o < n_outer - 1)
                def _():
                    pltpu.make_async_copy(h_hbm.at[src_v.at[g + RING]],
                                          rows[j], gsem[j]).start()

        plsc.subcore_barrier()
        pltpu.sync_copy(acc.at[pl.ds(s * rpt, rpt)],
                        out_hbm.at[c, pl.ds(s * rpt, rpt)])

    return agg_kernel




def _mm_body(x_ref, w_ref, h_ref):
    h_ref[...] = jnp.dot(x_ref[...], w_ref[...],
                         preferred_element_type=jnp.float32,
                         precision=lax.Precision.HIGHEST)


def _prep1_body(h_ref, d0_ref, d1_ref, hp_ref, dinv_ref):
    d = d0_ref[...] + d1_ref[...]
    cnt = d[:, 0:1] + 1.0
    dinv = lax.rsqrt(cnt)
    hp_ref[...] = h_ref[...] * dinv
    dinv_ref[...] = jnp.broadcast_to(dinv, d.shape)


def _mid_body(alo_ref, ahi_ref, hp_ref, dinv_ref, b1_ref, w_ref, out_ref):
    dinv = dinv_ref[...][:, 0:1]
    agg = jnp.concatenate([alo_ref[...], ahi_ref[...]], axis=1)
    z = (agg + hp_ref[...]) * dinv + b1_ref[...]
    h = jnp.maximum(z, 0.0)
    h2 = jnp.dot(h, w_ref[...], preferred_element_type=jnp.float32,
                 precision=lax.Precision.HIGHEST)
    out_ref[...] = h2 * dinv


def _fin_body(alo_ref, ahi_ref, hp_ref, dinv_ref, b2_ref, out_ref):
    dinv = dinv_ref[...][:, 0:1]
    agg = jnp.concatenate([alo_ref[...], ahi_ref[...]], axis=1)
    out_ref[...] = (agg + hp_ref[...]) * dinv + b2_ref[...]




def kernel(x, edge_index, W1, b1, W2, b2):
    n, f_in = x.shape
    hid = W1.shape[1]
    hf = hid // 2
    e = edge_index.shape[1]

    gm = AGG_GM
    rnd = max(2, gm * RING)
    nbt = _cdiv(_cdiv(e, EPB * NS), rnd) * rnd
    nbt_deg = nbt // 2
    e_pad = NS * nbt * EPB
    n_pad = _cdiv(n + 1, NS * 8) * NS * 8

    src = edge_index[0]
    dst = edge_index[1]
    pad = e_pad - e
    src_p = jnp.concatenate([src, jnp.zeros((pad,), jnp.int32)])
    dst2d = jnp.concatenate(
        [dst, jnp.full((pad,), n, jnp.int32)]).reshape(NS * nbt, EPB)
    nbg = nbt // gm
    src2 = jnp.stack(
        [(2 * src_p).reshape(NS * nbg, gm * EPB),
         (2 * src_p + 1).reshape(NS * nbg, gm * EPB)])

    zh = jnp.zeros((n_pad, hf), jnp.float32)
    z16 = jnp.zeros((n_pad, 16), jnp.float32)
    ones16 = jnp.ones((EPB, 16), jnp.float32)

    deg_kernel = _make_deg_kernel(n_pad, nbt_deg)
    agg_kernel = _make_agg_kernel(n_pad, nbt, hf, gm)

    degs = deg_kernel(dst2d, z16, ones16)

    rb = 1000
    grid = (n // rb,)
    blk = lambda shape, imap: pl.BlockSpec(shape, imap)
    row_map = lambda i: (i, 0)
    fix_map = lambda i: (0, 0)

    h1raw = pl.pallas_call(
        _mm_body,
        grid=grid,
        in_specs=[blk((rb, f_in), row_map), blk((f_in, hid), fix_map)],
        out_specs=blk((rb, hid), row_map),
        out_shape=jax.ShapeDtypeStruct((n, hid), jnp.float32),
    )(x, W1)

    hp1, dinv16 = pl.pallas_call(
        _prep1_body,
        grid=grid,
        in_specs=[
            blk((rb, hid), row_map),
            blk((rb, 16), row_map),
            blk((rb, 16), row_map),
        ],
        out_specs=[blk((rb, hid), row_map), blk((rb, 16), row_map)],
        out_shape=[
            jax.ShapeDtypeStruct((n, hid), jnp.float32),
            jax.ShapeDtypeStruct((n, 16), jnp.float32),
        ],
    )(h1raw, degs[0], degs[1])

    acc1 = agg_kernel(hp1.reshape(2 * n, hf), src2, dst2d, zh)

    hp2 = pl.pallas_call(
        _mid_body,
        grid=grid,
        in_specs=[
            blk((rb, hf), row_map),
            blk((rb, hf), row_map),
            blk((rb, hid), row_map),
            blk((rb, 16), row_map),
            blk((1, hid), fix_map),
            blk((hid, hid), fix_map),
        ],
        out_specs=blk((rb, hid), row_map),
        out_shape=jax.ShapeDtypeStruct((n, hid), jnp.float32),
    )(acc1[0], acc1[1], hp1, dinv16, b1.reshape(1, hid), W2)

    acc2 = agg_kernel(hp2.reshape(2 * n, hf), src2, dst2d, zh)

    out = pl.pallas_call(
        _fin_body,
        grid=grid,
        in_specs=[
            blk((rb, hf), row_map),
            blk((rb, hf), row_map),
            blk((rb, hid), row_map),
            blk((rb, 16), row_map),
            blk((1, hid), fix_map),
        ],
        out_specs=blk((rb, hid), row_map),
        out_shape=jax.ShapeDtypeStruct((n, hid), jnp.float32),
    )(acc2[0], acc2[1], hp2, dinv16, b2.reshape(1, hid))

    return out

# --- scband reference (transcript-rebuilt; emitter-appended) ---
"""Pipeline reference for scband-gcn-84052509983370 (READ-ONLY COPY).

The authoritative reference and input builder live on the scoring server;
editing this copy changes nothing except your own understanding.
"""

import jax, jax.numpy as jnp
import numpy as np

N = 10000
E = 320000
F_IN = 128
HID = 128


def setup_inputs(seed: int = 0) -> dict:
    key = jax.random.key(seed)
    k1, k2, k3, k4, k5 = jax.random.split(key, 5)
    x = jax.random.normal(k1, (N, F_IN), dtype=jnp.float32)
    edge_index = jax.random.randint(k2, (2, E), 0, N, dtype=jnp.int32)
    s1 = 1.0 / np.sqrt(F_IN)
    s2 = 1.0 / np.sqrt(HID)
    W1 = jax.random.uniform(k3, (F_IN, HID), dtype=jnp.float32, minval=-s1, maxval=s1)
    b1 = jnp.zeros((HID,), dtype=jnp.float32)
    W2 = jax.random.uniform(k4, (HID, HID), dtype=jnp.float32, minval=-s2, maxval=s2)
    b2 = jnp.zeros((HID,), dtype=jnp.float32)
    return {"x": x, "edge_index": edge_index, "W1": W1, "b1": b1, "W2": W2, "b2": b2}


def _gcn_conv(x, edge_index, W, b):
    n = x.shape[0]
    src = edge_index[0]
    dst = edge_index[1]
    loop = jnp.arange(n, dtype=src.dtype)
    src = jnp.concatenate([src, loop])
    dst = jnp.concatenate([dst, loop])
    deg = jnp.zeros((n,), dtype=x.dtype).at[dst].add(1.0)
    dinv = jnp.where(deg > 0, jax.lax.rsqrt(deg), 0.0)
    norm = dinv[src] * dinv[dst]
    h = x @ W
    msgs = h[src] * norm[:, None]
    out = jax.ops.segment_sum(msgs, dst, num_segments=n)
    return out + b


def reference(x, edge_index, W1, b1, W2, b2):
    h = _gcn_conv(x, edge_index, W1, b1)
    h = jax.nn.relu(h)
    # dropout is identity in eval mode (training=False)
    out = _gcn_conv(h, edge_index, W2, b2)
    return out

if __name__ == "__main__":
    import jax
    _d = setup_inputs()
    print(jax.jit(kernel)(*tuple(_d.values())))

</pallas_src>

<mosaic_0001>
#map = affine_map<(d0, d1) -> (0, 0)>
#map1 = affine_map<(d0, d1) -> (0, 0, 0)>
module attributes {stable_mosaic.version = 14 : i64} {
  func.func @deg_kernel(%arg0: i32, %arg1: i32, %arg2: memref<2560x128xi32, #tpu.memory_space<hbm>>, %arg3: memref<10112x16xf32, #tpu.memory_space<hbm>>, %arg4: memref<128x16xf32, #tpu.memory_space<hbm>>, %arg5: memref<2x10112x16xf32, #tpu.memory_space<hbm>>, %arg6: memref<80x128xi32, #tpu.memory_space<vmem>>, %arg7: memref<128x16xf32, #tpu.memory_space<vmem>>, %arg8: memref<10112x16xf32, #tpu.memory_space<vmem_shared>>, %arg9: memref<!tpu.dma_semaphore, #tpu.memory_space<semaphore_mem>>, %arg10: memref<!tpu.dma_semaphore, #tpu.memory_space<semaphore_mem>>) attributes {dimension_semantics = [#tpu.dimension_semantics<core_parallel>, #tpu.dimension_semantics<subcore_parallel>], iteration_bounds = array<i64: 2, 16>, scalar_prefetch = 0 : i64, scratch_operands = 5 : i64, tpu.core_type = #tpu.core_type<sc_vector_subcore>, window_params = [{transform_indices = #map}, {transform_indices = #map}, {transform_indices = #map}, {transform_indices = #map1}]} {
    %mul3A = arith.constant 16 : i32
    %mul3A_0 = arith.muli %arg0, %mul3A : i32
    %add3A = arith.addi %mul3A_0, %arg1 : i32
    %mul3A_1 = arith.constant 80 : i32
    %mul3A_2 = arith.muli %add3A, %mul3A_1 : i32
    %dma_start3A = arith.constant 0 : i32
    %dma_start3A_3 = tpu.memref_slice %arg2[%mul3A_2, %dma_start3A] : memref<2560x128xi32, #tpu.memory_space<hbm>> -> memref<80x128xi32, #tpu.memory_space<hbm>>
    %dma_start3A_4 = arith.constant 0 : i32
    %dma_start3A_5 = tpu.memref_slice %arg2[%mul3A_2, %dma_start3A_4] : memref<2560x128xi32, #tpu.memory_space<hbm>> -> memref<80x128xi32, #tpu.memory_space<hbm>>
    tpu.enqueue_dma source(%dma_start3A_5 : memref<80x128xi32, #tpu.memory_space<hbm>>) target(%arg6 : memref<80x128xi32, #tpu.memory_space<vmem>>) target_semaphore(%arg9 : memref<!tpu.dma_semaphore, #tpu.memory_space<semaphore_mem>>)
    "tpu.region"() ({
      %run_scoped3A = tpu.sem_alloc : memref<!tpu.dma_semaphore, #tpu.memory_space<semaphore_mem>>
      tpu.enqueue_dma source(%arg4 : memref<128x16xf32, #tpu.memory_space<hbm>>) target(%arg7 : memref<128x16xf32, #tpu.memory_space<vmem>>) target_semaphore(%run_scoped3A : memref<!tpu.dma_semaphore, #tpu.memory_space<semaphore_mem>>)
      tpu.wait_dma2 semaphore(%run_scoped3A : memref<!tpu.dma_semaphore, #tpu.memory_space<semaphore_mem>>) src(%arg4 : memref<128x16xf32, #tpu.memory_space<hbm>>) dst(%arg7 : memref<128x16xf32, #tpu.memory_space<vmem>>)
      tpu.yield
    }) : () -> ()
    %mul3A_6 = arith.constant 632 : i32
    %mul3A_7 = arith.muli %arg1, %mul3A_6 : i32
    %mul3A_8 = arith.constant 632 : i32
    %mul3A_9 = arith.muli %arg1, %mul3A_8 : i32
    "tpu.region"() ({
      %run_scoped3A = tpu.sem_alloc : memref<!tpu.dma_semaphore, #tpu.memory_space<semaphore_mem>>
      %dma_start3A_24 = arith.constant 0 : i32
      %dma_start3A_25 = tpu.memref_slice %arg8[%mul3A_9, %dma_start3A_24] : memref<10112x16xf32, #tpu.memory_space<vmem_shared>> -> memref<632x16xf32, #tpu.memory_space<vmem_shared>>
      %dma_start3A_26 = arith.constant 0 : i32
      %dma_start3A_27 = tpu.memref_slice %arg3[%mul3A_7, %dma_start3A_26] : memref<10112x16xf32, #tpu.memory_space<hbm>> -> memref<632x16xf32, #tpu.memory_space<hbm>>
      tpu.enqueue_dma source(%dma_start3A_27 : memref<632x16xf32, #tpu.memory_space<hbm>>) target(%dma_start3A_25 : memref<632x16xf32, #tpu.memory_space<vmem_shared>>) target_semaphore(%run_scoped3A : memref<!tpu.dma_semaphore, #tpu.memory_space<semaphore_mem>>)
      %dma_wait3A_28 = arith.constant 0 : i32
      %dma_wait3A_29 = tpu.memref_slice %arg8[%mul3A_9, %dma_wait3A_28] : memref<10112x16xf32, #tpu.memory_space<vmem_shared>> -> memref<632x16xf32, #tpu.memory_space<vmem_shared>>
      %dma_wait3A_30 = arith.constant 0 : i32
      %dma_wait3A_31 = tpu.memref_slice %arg3[%mul3A_7, %dma_wait3A_30] : memref<10112x16xf32, #tpu.memory_space<hbm>> -> memref<632x16xf32, #tpu.memory_space<hbm>>
      tpu.wait_dma2 semaphore(%run_scoped3A : memref<!tpu.dma_semaphore, #tpu.memory_space<semaphore_mem>>) src(%dma_wait3A_31 : memref<632x16xf32, #tpu.memory_space<hbm>>) dst(%dma_wait3A_29 : memref<632x16xf32, #tpu.memory_space<vmem_shared>>)
      tpu.yield
    }) : () -> ()
    %mul3A_10 = arith.constant 80 : i32
    %mul3A_11 = arith.muli %add3A, %mul3A_10 : i32
    %dma_wait3A = arith.constant 0 : i32
    %dma_wait3A_12 = tpu.memref_slice %arg2[%mul3A_11, %dma_wait3A] : memref<2560x128xi32, #tpu.memory_space<hbm>> -> memref<80x128xi32, #tpu.memory_space<hbm>>
    %dma_wait3A_13 = arith.constant 0 : i32
    %dma_wait3A_14 = tpu.memref_slice %arg2[%mul3A_11, %dma_wait3A_13] : memref<2560x128xi32, #tpu.memory_space<hbm>> -> memref<80x128xi32, #tpu.memory_space<hbm>>
    tpu.wait_dma2 semaphore(%arg9 : memref<!tpu.dma_semaphore, #tpu.memory_space<semaphore_mem>>) src(%dma_wait3A_14 : memref<80x128xi32, #tpu.memory_space<hbm>>) dst(%arg6 : memref<80x128xi32, #tpu.memory_space<vmem>>)
    %barrier3A = arith.constant 0 : index
    tpu.barrier barrier_id(%barrier3A)
    %scan3A = arith.constant 0 : i32
    %scan3A_15 = arith.constant 80 : i32
    %scan3A_16 = arith.addi %scan3A, %scan3A_15 : i32
    %scan3A_17 = arith.constant 1 : i32
    scf.for %scan3A_24 = %scan3A to %scan3A_16 step %scan3A_17  : i32 {
      %mul3A_25 = arith.constant 1 : i32
      %mul3A_26 = arith.muli %scan3A_24, %mul3A_25 : i32
      %add3A_27 = arith.constant 0 : i32
      %add3A_28 = arith.addi %add3A_27, %mul3A_26 : i32
      "tpu.region"() ({
        %run_scoped3A = tpu.sem_alloc : memref<!tpu.dma_semaphore, #tpu.memory_space<semaphore_mem>>
        %dma_start3A_29 = arith.constant 0 : i32
        %dma_start3A_30 = tpu.memref_slice %arg6[%add3A_28, %dma_start3A_29] : memref<80x128xi32, #tpu.memory_space<vmem>> -> memref<1x128xi32, #tpu.memory_space<vmem>>
        %dma_start3A_31 = tpu.memref_squeeze %dma_start3A_30 : memref<1x128xi32, #tpu.memory_space<vmem>> -> memref<128xi32, #tpu.memory_space<vmem>>
        %dma_start3A_32 = arith.constant 0 : i32
        %dma_start3A_33 = arith.constant 0 : i32
        %dma_start3A_34 = tpu.memref_slice %arg8[%dma_start3A_32, %dma_start3A_33] : memref<10112x16xf32, #tpu.memory_space<vmem_shared>> -> memref<10112x16xf32, #tpu.memory_space<vmem_shared>>
        tpu.enqueue_indirect_dma source(%arg7 : memref<128x16xf32, #tpu.memory_space<vmem>>) target(%dma_start3A_34 : memref<10112x16xf32, #tpu.memory_space<vmem_shared>>) offsets(%dma_start3A_31 : memref<128xi32, #tpu.memory_space<vmem>>) semaphore(%run_scoped3A : memref<!tpu.dma_semaphore, #tpu.memory_space<semaphore_mem>>) {add = true}
        %dma_wait3A_35 = arith.constant 0 : i32
        %dma_wait3A_36 = tpu.memref_slice %arg6[%add3A_28, %dma_wait3A_35] : memref<80x128xi32, #tpu.memory_space<vmem>> -> memref<1x128xi32, #tpu.memory_space<vmem>>
        %dma_wait3A_37 = tpu.memref_squeeze %dma_wait3A_36 : memref<1x128xi32, #tpu.memory_space<vmem>> -> memref<128xi32, #tpu.memory_space<vmem>>
        %dma_wait3A_38 = arith.constant 0 : i32
        %dma_wait3A_39 = arith.constant 0 : i32
        %dma_wait3A_40 = tpu.memref_slice %arg8[%dma_wait3A_38, %dma_wait3A_39] : memref<10112x16xf32, #tpu.memory_space<vmem_shared>> -> memref<10112x16xf32, #tpu.memory_space<vmem_shared>>
        tpu.wait_indirect_dma semaphore(%run_scoped3A : memref<!tpu.dma_semaphore, #tpu.memory_space<semaphore_mem>>) src(%arg7 : memref<128x16xf32, #tpu.memory_space<vmem>>) dst(%dma_wait3A_40 : memref<10112x16xf32, #tpu.memory_space<vmem_shared>>)
        tpu.yield
      }) : () -> ()
    }
    %scan3A_18 = arith.constant 80 : i32
    %barrier3A_19 = arith.constant 0 : index
    tpu.barrier barrier_id(%barrier3A_19)
    %mul3A_20 = arith.constant 632 : i32
    %mul3A_21 = arith.muli %arg1, %mul3A_20 : i32
    %mul3A_22 = arith.constant 632 : i32
    %mul3A_23 = arith.muli %arg1, %mul3A_22 : i32
    "tpu.region"() ({
      %run_scoped3A = tpu.sem_alloc : memref<!tpu.dma_semaphore, #tpu.memory_space<semaphore_mem>>
      %dma_start3A_24 = arith.constant 0 : i32
      %dma_start3A_25 = tpu.memref_slice %arg5[%arg0, %mul3A_23, %dma_start3A_24] : memref<2x10112x16xf32, #tpu.memory_space<hbm>> -> memref<1x632x16xf32, #tpu.memory_space<hbm>>
      %dma_start3A_26 = tpu.memref_squeeze %dma_start3A_25 : memref<1x632x16xf32, #tpu.memory_space<hbm>> -> memref<632x16xf32, #tpu.memory_space<hbm>>
      %dma_start3A_27 = arith.constant 0 : i32
      %dma_start3A_28 = tpu.memref_slice %arg8[%mul3A_21, %dma_start3A_27] : memref<10112x16xf32, #tpu.memory_space<vmem_shared>> -> memref<632x16xf32, #tpu.memory_space<vmem_shared>>
      tpu.enqueue_dma source(%dma_start3A_28 : memref<632x16xf32, #tpu.memory_space<vmem_shared>>) target(%dma_start3A_26 : memref<632x16xf32, #tpu.memory_space<hbm>>) target_semaphore(%run_scoped3A : memref<!tpu.dma_semaphore, #tpu.memory_space<semaphore_mem>>)
      %dma_wait3A_29 = arith.constant 0 : i32
      %dma_wait3A_30 = tpu.memref_slice %arg5[%arg0, %mul3A_23, %dma_wait3A_29] : memref<2x10112x16xf32, #tpu.memory_space<hbm>> -> memref<1x632x16xf32, #tpu.memory_space<hbm>>
      %dma_wait3A_31 = tpu.memref_squeeze %dma_wait3A_30 : memref<1x632x16xf32, #tpu.memory_space<hbm>> -> memref<632x16xf32, #tpu.memory_space<hbm>>
      %dma_wait3A_32 = arith.constant 0 : i32
      %dma_wait3A_33 = tpu.memref_slice %arg8[%mul3A_21, %dma_wait3A_32] : memref<10112x16xf32, #tpu.memory_space<vmem_shared>> -> memref<632x16xf32, #tpu.memory_space<vmem_shared>>
      tpu.wait_dma2 semaphore(%run_scoped3A : memref<!tpu.dma_semaphore, #tpu.memory_space<semaphore_mem>>) src(%dma_wait3A_33 : memref<632x16xf32, #tpu.memory_space<vmem_shared>>) dst(%dma_wait3A_31 : memref<632x16xf32, #tpu.memory_space<hbm>>)
      tpu.yield
    }) : () -> ()
    return
  }
}

#map = affine_map<(d0, d1) -> (0, 0)>
#map1 = affine_map<(d0, d1) -> (0, 0, 0)>
module attributes {stable_mosaic.version = 14 : i64} {
  func.func @agg_kernel(%arg0: i32, %arg1: i32, %arg2: memref<20000x64xf32, #tpu.memory_space<hbm>>, %arg3: memref<2x2560x128xi32, #tpu.memory_space<hbm>>, %arg4: memref<2560x128xi32, #tpu.memory_space<hbm>>, %arg5: memref<10112x64xf32, #tpu.memory_space<hbm>>, %arg6: memref<2x10112x64xf32, #tpu.memory_space<hbm>>, %arg7: memref<160x128xi32, #tpu.memory_space<vmem>>, %arg8: memref<160x128xi32, #tpu.memory_space<vmem>>, %arg9: memref<128x64xf32, #tpu.memory_space<vmem>>, %arg10: memref<128x64xf32, #tpu.memory_space<vmem>>, %arg11: memref<128x64xf32, #tpu.memory_space<vmem>>, %arg12: memref<128x64xf32, #tpu.memory_space<vmem>>, %arg13: memref<!tpu.dma_semaphore, #tpu.memory_space<semaphore_mem>>, %arg14: memref<!tpu.dma_semaphore, #tpu.memory_space<semaphore_mem>>, %arg15: memref<!tpu.dma_semaphore, #tpu.memory_space<semaphore_mem>>, %arg16: memref<!tpu.dma_semaphore, #tpu.memory_space<semaphore_mem>>, %arg17: memref<!tpu.dma_semaphore, #tpu.memory_space<semaphore_mem>>, %arg18: memref<10112x64xf32, #tpu.memory_space<vmem_shared>>) attributes {dimension_semantics = [#tpu.dimension_semantics<core_parallel>, #tpu.dimension_semantics<subcore_parallel>], iteration_bounds = array<i64: 2, 16>, scalar_prefetch = 0 : i64, scratch_operands = 12 : i64, tpu.core_type = #tpu.core_type<sc_vector_subcore>, window_params = [{transform_indices = #map}, {transform_indices = #map1}, {transform_indices = #map}, {transform_indices = #map}, {transform_indices = #map1}]} {
    %mul3A = arith.constant 160 : i32
    %mul3A_0 = arith.muli %arg1, %mul3A : i32
    %dma_start3A = arith.constant 0 : i32
    %dma_start3A_1 = tpu.memref_slice %arg3[%arg0, %mul3A_0, %dma_start3A] : memref<2x2560x128xi32, #tpu.memory_space<hbm>> -> memref<1x160x128xi32, #tpu.memory_space<hbm>>
    %dma_start3A_2 = tpu.memref_squeeze %dma_start3A_1 : memref<1x160x128xi32, #tpu.memory_space<hbm>> -> memref<160x128xi32, #tpu.memory_space<hbm>>
    %dma_start3A_3 = arith.constant 0 : i32
    %dma_start3A_4 = tpu.memref_slice %arg3[%arg0, %mul3A_0, %dma_start3A_3] : memref<2x2560x128xi32, #tpu.memory_space<hbm>> -> memref<1x160x128xi32, #tpu.memory_space<hbm>>
    %dma_start3A_5 = tpu.memref_squeeze %dma_start3A_4 : memref<1x160x128xi32, #tpu.memory_space<hbm>> -> memref<160x128xi32, #tpu.memory_space<hbm>>
    tpu.enqueue_dma source(%dma_start3A_5 : memref<160x128xi32, #tpu.memory_space<hbm>>) target(%arg7 : memref<160x128xi32, #tpu.memory_space<vmem>>) target_semaphore(%arg17 : memref<!tpu.dma_semaphore, #tpu.memory_space<semaphore_mem>>)
    %mul3A_6 = arith.constant 160 : i32
    %mul3A_7 = arith.muli %arg1, %mul3A_6 : i32
    %dma_start3A_8 = arith.constant 0 : i32
    %dma_start3A_9 = tpu.memref_slice %arg4[%mul3A_7, %dma_start3A_8] : memref<2560x128xi32, #tpu.memory_space<hbm>> -> memref<160x128xi32, #tpu.memory_space<hbm>>
    %dma_start3A_10 = arith.constant 0 : i32
    %dma_start3A_11 = tpu.memref_slice %arg4[%mul3A_7, %dma_start3A_10] : memref<2560x128xi32, #tpu.memory_space<hbm>> -> memref<160x128xi32, #tpu.memory_space<hbm>>
    tpu.enqueue_dma source(%dma_start3A_11 : memref<160x128xi32, #tpu.memory_space<hbm>>) target(%arg8 : memref<160x128xi32, #tpu.memory_space<vmem>>) target_semaphore(%arg17 : memref<!tpu.dma_semaphore, #tpu.memory_space<semaphore_mem>>)
    %mul3A_12 = arith.constant 632 : i32
    %mul3A_13 = arith.muli %arg1, %mul3A_12 : i32
    %mul3A_14 = arith.constant 632 : i32
    %mul3A_15 = arith.muli %arg1, %mul3A_14 : i32
    "tpu.region"() ({
      %run_scoped3A = tpu.sem_alloc : memref<!tpu.dma_semaphore, #tpu.memory_space<semaphore_mem>>
      %dma_start3A_66 = arith.constant 0 : i32
      %dma_start3A_67 = tpu.memref_slice %arg18[%mul3A_15, %dma_start3A_66] : memref<10112x64xf32, #tpu.memory_space<vmem_shared>> -> memref<632x64xf32, #tpu.memory_space<vmem_shared>>
      %dma_start3A_68 = arith.constant 0 : i32
      %dma_start3A_69 = tpu.memref_slice %arg5[%mul3A_13, %dma_start3A_68] : memref<10112x64xf32, #tpu.memory_space<hbm>> -> memref<632x64xf32, #tpu.memory_space<hbm>>
      tpu.enqueue_dma source(%dma_start3A_69 : memref<632x64xf32, #tpu.memory_space<hbm>>) target(%dma_start3A_67 : memref<632x64xf32, #tpu.memory_space<vmem_shared>>) target_semaphore(%run_scoped3A : memref<!tpu.dma_semaphore, #tpu.memory_space<semaphore_mem>>)
      %dma_wait3A_70 = arith.constant 0 : i32
      %dma_wait3A_71 = tpu.memref_slice %arg18[%mul3A_15, %dma_wait3A_70] : memref<10112x64xf32, #tpu.memory_space<vmem_shared>> -> memref<632x64xf32, #tpu.memory_space<vmem_shared>>
      %dma_wait3A_72 = arith.constant 0 : i32
      %dma_wait3A_73 = tpu.memref_slice %arg5[%mul3A_13, %dma_wait3A_72] : memref<10112x64xf32, #tpu.memory_space<hbm>> -> memref<632x64xf32, #tpu.memory_space<hbm>>
      tpu.wait_dma2 semaphore(%run_scoped3A : memref<!tpu.dma_semaphore, #tpu.memory_space<semaphore_mem>>) src(%dma_wait3A_73 : memref<632x64xf32, #tpu.memory_space<hbm>>) dst(%dma_wait3A_71 : memref<632x64xf32, #tpu.memory_space<vmem_shared>>)
      tpu.yield
    }) : () -> ()
    %mul3A_16 = arith.constant 160 : i32
    %mul3A_17 = arith.muli %arg1, %mul3A_16 : i32
    %dma_wait3A = arith.constant 0 : i32
    %dma_wait3A_18 = tpu.memref_slice %arg3[%arg0, %mul3A_17, %dma_wait3A] : memref<2x2560x128xi32, #tpu.memory_space<hbm>> -> memref<1x160x128xi32, #tpu.memory_space<hbm>>
    %dma_wait3A_19 = tpu.memref_squeeze %dma_wait3A_18 : memref<1x160x128xi32, #tpu.memory_space<hbm>> -> memref<160x128xi32, #tpu.memory_space<hbm>>
    %dma_wait3A_20 = arith.constant 0 : i32
    %dma_wait3A_21 = tpu.memref_slice %arg3[%arg0, %mul3A_17, %dma_wait3A_20] : memref<2x2560x128xi32, #tpu.memory_space<hbm>> -> memref<1x160x128xi32, #tpu.memory_space<hbm>>
    %dma_wait3A_22 = tpu.memref_squeeze %dma_wait3A_21 : memref<1x160x128xi32, #tpu.memory_space<hbm>> -> memref<160x128xi32, #tpu.memory_space<hbm>>
    tpu.wait_dma2 semaphore(%arg17 : memref<!tpu.dma_semaphore, #tpu.memory_space<semaphore_mem>>) src(%dma_wait3A_22 : memref<160x128xi32, #tpu.memory_space<hbm>>) dst(%arg7 : memref<160x128xi32, #tpu.memory_space<vmem>>)
    %mul3A_23 = arith.constant 160 : i32
    %mul3A_24 = arith.muli %arg1, %mul3A_23 : i32
    %dma_wait3A_25 = arith.constant 0 : i32
    %dma_wait3A_26 = tpu.memref_slice %arg4[%mul3A_24, %dma_wait3A_25] : memref<2560x128xi32, #tpu.memory_space<hbm>> -> memref<160x128xi32, #tpu.memory_space<hbm>>
    %dma_wait3A_27 = arith.constant 0 : i32
    %dma_wait3A_28 = tpu.memref_slice %arg4[%mul3A_24, %dma_wait3A_27] : memref<2560x128xi32, #tpu.memory_space<hbm>> -> memref<160x128xi32, #tpu.memory_space<hbm>>
    tpu.wait_dma2 semaphore(%arg17 : memref<!tpu.dma_semaphore, #tpu.memory_space<semaphore_mem>>) src(%dma_wait3A_28 : memref<160x128xi32, #tpu.memory_space<hbm>>) dst(%arg8 : memref<160x128xi32, #tpu.memory_space<vmem>>)
    %barrier3A = arith.constant 0 : index
    tpu.barrier barrier_id(%barrier3A)
    %dma_start3A_29 = arith.constant 0 : i32
    %dma_start3A_30 = arith.constant 0 : i32
    %dma_start3A_31 = tpu.memref_slice %arg7[%dma_start3A_29, %dma_start3A_30] : memref<160x128xi32, #tpu.memory_space<vmem>> -> memref<1x128xi32, #tpu.memory_space<vmem>>
    %dma_start3A_32 = tpu.memref_squeeze %dma_start3A_31 : memref<1x128xi32, #tpu.memory_space<vmem>> -> memref<128xi32, #tpu.memory_space<vmem>>
    %dma_start3A_33 = arith.constant 0 : i32
    %dma_start3A_34 = arith.constant 0 : i32
    %dma_start3A_35 = tpu.memref_slice %arg2[%dma_start3A_33, %dma_start3A_34] : memref<20000x64xf32, #tpu.memory_space<hbm>> -> memref<20000x64xf32, #tpu.memory_space<hbm>>
    tpu.enqueue_indirect_dma source(%dma_start3A_35 : memref<20000x64xf32, #tpu.memory_space<hbm>>) target(%arg9 : memref<128x64xf32, #tpu.memory_space<vmem>>) offsets(%dma_start3A_32 : memref<128xi32, #tpu.memory_space<vmem>>) semaphore(%arg13 : memref<!tpu.dma_semaphore, #tpu.memory_space<semaphore_mem>>)
    %dma_start3A_36 = arith.constant 1 : i32
    %dma_start3A_37 = arith.constant 0 : i32
    %dma_start3A_38 = tpu.memref_slice %arg7[%dma_start3A_36, %dma_start3A_37] : memref<160x128xi32, #tpu.memory_space<vmem>> -> memref<1x128xi32, #tpu.memory_space<vmem>>
    %dma_start3A_39 = tpu.memref_squeeze %dma_start3A_38 : memref<1x128xi32, #tpu.memory_space<vmem>> -> memref<128xi32, #tpu.memory_space<vmem>>
    %dma_start3A_40 = arith.constant 0 : i32
    %dma_start3A_41 = arith.constant 0 : i32
    %dma_start3A_42 = tpu.memref_slice %arg2[%dma_start3A_40, %dma_start3A_41] : memref<20000x64xf32, #tpu.memory_space<hbm>> -> memref<20000x64xf32, #tpu.memory_space<hbm>>
    tpu.enqueue_indirect_dma source(%dma_start3A_42 : memref<20000x64xf32, #tpu.memory_space<hbm>>) target(%arg10 : memref<128x64xf32, #tpu.memory_space<vmem>>) offsets(%dma_start3A_39 : memref<128xi32, #tpu.memory_space<vmem>>) semaphore(%arg14 : memref<!tpu.dma_semaphore, #tpu.memory_space<semaphore_mem>>)
    %dma_start3A_43 = arith.constant 2 : i32
    %dma_start3A_44 = arith.constant 0 : i32
    %dma_start3A_45 = tpu.memref_slice %arg7[%dma_start3A_43, %dma_start3A_44] : memref<160x128xi32, #tpu.memory_space<vmem>> -> memref<1x128xi32, #tpu.memory_space<vmem>>
    %dma_start3A_46 = tpu.memref_squeeze %dma_start3A_45 : memref<1x128xi32, #tpu.memory_space<vmem>> -> memref<128xi32, #tpu.memory_space<vmem>>
    %dma_start3A_47 = arith.constant 0 : i32
    %dma_start3A_48 = arith.constant 0 : i32
    %dma_start3A_49 = tpu.memref_slice %arg2[%dma_start3A_47, %dma_start3A_48] : memref<20000x64xf32, #tpu.memory_space<hbm>> -> memref<20000x64xf32, #tpu.memory_space<hbm>>
    tpu.enqueue_indirect_dma source(%dma_start3A_49 : memref<20000x64xf32, #tpu.memory_space<hbm>>) target(%arg11 : memref<128x64xf32, #tpu.memory_space<vmem>>) offsets(%dma_start3A_46 : memref<128xi32, #tpu.memory_space<vmem>>) semaphore(%arg15 : memref<!tpu.dma_semaphore, #tpu.memory_space<semaphore_mem>>)
    %dma_start3A_50 = arith.constant 3 : i32
    %dma_start3A_51 = arith.constant 0 : i32
    %dma_start3A_52 = tpu.memref_slice %arg7[%dma_start3A_50, %dma_start3A_51] : memref<160x128xi32, #tpu.memory_space<vmem>> -> memref<1x128xi32, #tpu.memory_space<vmem>>
    %dma_start3A_53 = tpu.memref_squeeze %dma_start3A_52 : memref<1x128xi32, #tpu.memory_space<vmem>> -> memref<128xi32, #tpu.memory_space<vmem>>
    %dma_start3A_54 = arith.constant 0 : i32
    %dma_start3A_55 = arith.constant 0 : i32
    %dma_start3A_56 = tpu.memref_slice %arg2[%dma_start3A_54, %dma_start3A_55] : memref<20000x64xf32, #tpu.memory_space<hbm>> -> memref<20000x64xf32, #tpu.memory_space<hbm>>
    tpu.enqueue_indirect_dma source(%dma_start3A_56 : memref<20000x64xf32, #tpu.memory_space<hbm>>) target(%arg12 : memref<128x64xf32, #tpu.memory_space<vmem>>) offsets(%dma_start3A_53 : memref<128xi32, #tpu.memory_space<vmem>>) semaphore(%arg16 : memref<!tpu.dma_semaphore, #tpu.memory_space<semaphore_mem>>)
    %scan3A = arith.constant 0 : i32
    %scan3A_57 = arith.constant 40 : i32
    %scan3A_58 = arith.addi %scan3A, %scan3A_57 : i32
    %scan3A_59 = arith.constant 1 : i32
    scf.for %scan3A_66 = %scan3A to %scan3A_58 step %scan3A_59  : i32 {
      %mul3A_67 = arith.constant 1 : i32
      %mul3A_68 = arith.muli %scan3A_66, %mul3A_67 : i32
      %add3A = arith.constant 0 : i32
      %add3A_69 = arith.addi %add3A, %mul3A_68 : i32
      %mul3A_70 = arith.constant 4 : i32
      %mul3A_71 = arith.muli %add3A_69, %mul3A_70 : i32
      %add3A_72 = arith.constant 0 : i32
      %add3A_73 = arith.addi %mul3A_71, %add3A_72 : i32
      %dma_wait3A_74 = arith.constant 0 : i32
      %dma_wait3A_75 = tpu.memref_slice %arg7[%add3A_73, %dma_wait3A_74] : memref<160x128xi32, #tpu.memory_space<vmem>> -> memref<1x128xi32, #tpu.memory_space<vmem>>
      %dma_wait3A_76 = tpu.memref_squeeze %dma_wait3A_75 : memref<1x128xi32, #tpu.memory_space<vmem>> -> memref<128xi32, #tpu.memory_space<vmem>>
      %dma_wait3A_77 = arith.constant 0 : i32
      %dma_wait3A_78 = arith.constant 0 : i32
      %dma_wait3A_79 = tpu.memref_slice %arg2[%dma_wait3A_77, %dma_wait3A_78] : memref<20000x64xf32, #tpu.memory_space<hbm>> -> memref<20000x64xf32, #tpu.memory_space<hbm>>
      tpu.wait_indirect_dma semaphore(%arg13 : memref<!tpu.dma_semaphore, #tpu.memory_space<semaphore_mem>>) src(%dma_wait3A_79 : memref<20000x64xf32, #tpu.memory_space<hbm>>) dst(%arg9 : memref<128x64xf32, #tpu.memory_space<vmem>>)
      %mul3A_80 = arith.constant 1 : i32
      %mul3A_81 = arith.muli %add3A_73, %mul3A_80 : i32
      %add3A_82 = arith.constant 0 : i32
      %add3A_83 = arith.addi %mul3A_81, %add3A_82 : i32
      "tpu.region"() ({
        %run_scoped3A = tpu.sem_alloc : memref<!tpu.dma_semaphore, #tpu.memory_space<semaphore_mem>>
        %dma_start3A_143 = arith.constant 0 : i32
        %dma_start3A_144 = arith.constant 0 : i32
        %dma_start3A_145 = tpu.memref_slice %arg9[%dma_start3A_143, %dma_start3A_144] : memref<128x64xf32, #tpu.memory_space<vmem>> -> memref<128x64xf32, #tpu.memory_space<vmem>>
        %dma_start3A_146 = arith.constant 0 : i32
        %dma_start3A_147 = tpu.memref_slice %arg8[%add3A_83, %dma_start3A_146] : memref<160x128xi32, #tpu.memory_space<vmem>> -> memref<1x128xi32, #tpu.memory_space<vmem>>
        %dma_start3A_148 = tpu.memref_squeeze %dma_start3A_147 : memref<1x128xi32, #tpu.memory_space<vmem>> -> memref<128xi32, #tpu.memory_space<vmem>>
        %dma_start3A_149 = arith.constant 0 : i32
        %dma_start3A_150 = arith.constant 0 : i32
        %dma_start3A_151 = tpu.memref_slice %arg18[%dma_start3A_149, %dma_start3A_150] : memref<10112x64xf32, #tpu.memory_space<vmem_shared>> -> memref<10112x64xf32, #tpu.memory_space<vmem_shared>>
        tpu.enqueue_indirect_dma source(%dma_start3A_145 : memref<128x64xf32, #tpu.memory_space<vmem>>) target(%dma_start3A_151 : memref<10112x64xf32, #tpu.memory_space<vmem_shared>>) offsets(%dma_start3A_148 : memref<128xi32, #tpu.memory_space<vmem>>) semaphore(%run_scoped3A : memref<!tpu.dma_semaphore, #tpu.memory_space<semaphore_mem>>) {add = true}
        %dma_wait3A_152 = arith.constant 0 : i32
        %dma_wait3A_153 = arith.constant 0 : i32
        %dma_wait3A_154 = tpu.memref_slice %arg9[%dma_wait3A_152, %dma_wait3A_153] : memref<128x64xf32, #tpu.memory_space<vmem>> -> memref<128x64xf32, #tpu.memory_space<vmem>>
        %dma_wait3A_155 = arith.constant 0 : i32
        %dma_wait3A_156 = tpu.memref_slice %arg8[%add3A_83, %dma_wait3A_155] : memref<160x128xi32, #tpu.memory_space<vmem>> -> memref<1x128xi32, #tpu.memory_space<vmem>>
        %dma_wait3A_157 = tpu.memref_squeeze %dma_wait3A_156 : memref<1x128xi32, #tpu.memory_space<vmem>> -> memref<128xi32, #tpu.memory_space<vmem>>
        %dma_wait3A_158 = arith.constant 0 : i32
        %dma_wait3A_159 = arith.constant 0 : i32
        %dma_wait3A_160 = tpu.memref_slice %arg18[%dma_wait3A_158, %dma_wait3A_159] : memref<10112x64xf32, #tpu.memory_space<vmem_shared>> -> memref<10112x64xf32, #tpu.memory_space<vmem_shared>>
        tpu.wait_indirect_dma semaphore(%run_scoped3A : memref<!tpu.dma_semaphore, #tpu.memory_space<semaphore_mem>>) src(%dma_wait3A_154 : memref<128x64xf32, #tpu.memory_space<vmem>>) dst(%dma_wait3A_160 : memref<10112x64xf32, #tpu.memory_space<vmem_shared>>)
        tpu.yield
      }) : () -> ()
      %lt3A = arith.constant 39 : i32
      %lt3A_84 = arith.cmpi slt, %add3A_69, %lt3A : i32
      %convert_element_type3A = arith.extui %lt3A_84 : i1 to i32
      %cond3A = arith.constant 0 : i32
      %cond3A_85 = arith.cmpi ne, %convert_element_type3A, %cond3A : i32
      scf.if %cond3A_85 {
        %add3A_143 = arith.constant 4 : i32
        %add3A_144 = arith.addi %add3A_73, %add3A_143 : i32
        %dma_start3A_145 = arith.constant 0 : i32
        %dma_start3A_146 = tpu.memref_slice %arg7[%add3A_144, %dma_start3A_145] : memref<160x128xi32, #tpu.memory_space<vmem>> -> memref<1x128xi32, #tpu.memory_space<vmem>>
        %dma_start3A_147 = tpu.memref_squeeze %dma_start3A_146 : memref<1x128xi32, #tpu.memory_space<vmem>> -> memref<128xi32, #tpu.memory_space<vmem>>
        %dma_start3A_148 = arith.constant 0 : i32
        %dma_start3A_149 = arith.constant 0 : i32
        %dma_start3A_150 = tpu.memref_slice %arg2[%dma_start3A_148, %dma_start3A_149] : memref<20000x64xf32, #tpu.memory_space<hbm>> -> memref<20000x64xf32, #tpu.memory_space<hbm>>
        tpu.enqueue_indirect_dma source(%dma_start3A_150 : memref<20000x64xf32, #tpu.memory_space<hbm>>) target(%arg9 : memref<128x64xf32, #tpu.memory_space<vmem>>) offsets(%dma_start3A_147 : memref<128xi32, #tpu.memory_space<vmem>>) semaphore(%arg13 : memref<!tpu.dma_semaphore, #tpu.memory_space<semaphore_mem>>)
      } else {
      }
      %mul3A_86 = arith.constant 4 : i32
      %mul3A_87 = arith.muli %add3A_69, %mul3A_86 : i32
      %add3A_88 = arith.constant 1 : i32
      %add3A_89 = arith.addi %mul3A_87, %add3A_88 : i32
      %dma_wait3A_90 = arith.constant 0 : i32
      %dma_wait3A_91 = tpu.memref_slice %arg7[%add3A_89, %dma_wait3A_90] : memref<160x128xi32, #tpu.memory_space<vmem>> -> memref<1x128xi32, #tpu.memory_space<vmem>>
      %dma_wait3A_92 = tpu.memref_squeeze %dma_wait3A_91 : memref<1x128xi32, #tpu.memory_space<vmem>> -> memref<128xi32, #tpu.memory_space<vmem>>
      %dma_wait3A_93 = arith.constant 0 : i32
      %dma_wait3A_94 = arith.constant 0 : i32
      %dma_wait3A_95 = tpu.memref_slice %arg2[%dma_wait3A_93, %dma_wait3A_94] : memref<20000x64xf32, #tpu.memory_space<hbm>> -> memref<20000x64xf32, #tpu.memory_space<hbm>>
      tpu.wait_indirect_dma semaphore(%arg14 : memref<!tpu.dma_semaphore, #tpu.memory_space<semaphore_mem>>) src(%dma_wait3A_95 : memref<20000x64xf32, #tpu.memory_space<hbm>>) dst(%arg10 : memref<128x64xf32, #tpu.memory_space<vmem>>)
      %mul3A_96 = arith.constant 1 : i32
      %mul3A_97 = arith.muli %add3A_89, %mul3A_96 : i32
      %add3A_98 = arith.constant 0 : i32
      %add3A_99 = arith.addi %mul3A_97, %add3A_98 : i32
      "tpu.region"() ({
        %run_scoped3A = tpu.sem_alloc : memref<!tpu.dma_semaphore, #tpu.memory_space<semaphore_mem>>
        %dma_start3A_143 = arith.constant 0 : i32
        %dma_start3A_144 = arith.constant 0 : i32
        %dma_start3A_145 = tpu.memref_slice %arg10[%dma_start3A_143, %dma_start3A_144] : memref<128x64xf32, #tpu.memory_space<vmem>> -> memref<128x64xf32, #tpu.memory_space<vmem>>
        %dma_start3A_146 = arith.constant 0 : i32
        %dma_start3A_147 = tpu.memref_slice %arg8[%add3A_99, %dma_start3A_146] : memref<160x128xi32, #tpu.memory_space<vmem>> -> memref<1x128xi32, #tpu.memory_space<vmem>>
        %dma_start3A_148 = tpu.memref_squeeze %dma_start3A_147 : memref<1x128xi32, #tpu.memory_space<vmem>> -> memref<128xi32, #tpu.memory_space<vmem>>
        %dma_start3A_149 = arith.constant 0 : i32
        %dma_start3A_150 = arith.constant 0 : i32
        %dma_start3A_151 = tpu.memref_slice %arg18[%dma_start3A_149, %dma_start3A_150] : memref<10112x64xf32, #tpu.memory_space<vmem_shared>> -> memref<10112x64xf32, #tpu.memory_space<vmem_shared>>
        tpu.enqueue_indirect_dma source(%dma_start3A_145 : memref<128x64xf32, #tpu.memory_space<vmem>>) target(%dma_start3A_151 : memref<10112x64xf32, #tpu.memory_space<vmem_shared>>) offsets(%dma_start3A_148 : memref<128xi32, #tpu.memory_space<vmem>>) semaphore(%run_scoped3A : memref<!tpu.dma_semaphore, #tpu.memory_space<semaphore_mem>>) {add = true}
        %dma_wait3A_152 = arith.constant 0 : i32
        %dma_wait3A_153 = arith.constant 0 : i32
        %dma_wait3A_154 = tpu.memref_slice %arg10[%dma_wait3A_152, %dma_wait3A_153] : memref<128x64xf32, #tpu.memory_space<vmem>> -> memref<128x64xf32, #tpu.memory_space<vmem>>
        %dma_wait3A_155 = arith.constant 0 : i32
        %dma_wait3A_156 = tpu.memref_slice %arg8[%add3A_99, %dma_wait3A_155] : memref<160x128xi32, #tpu.memory_space<vmem>> -> memref<1x128xi32, #tpu.memory_space<vmem>>
        %dma_wait3A_157 = tpu.memref_squeeze %dma_wait3A_156 : memref<1x128xi32, #tpu.memory_space<vmem>> -> memref<128xi32, #tpu.memory_space<vmem>>
        %dma_wait3A_158 = arith.constant 0 : i32
        %dma_wait3A_159 = arith.constant 0 : i32
        %dma_wait3A_160 = tpu.memref_slice %arg18[%dma_wait3A_158, %dma_wait3A_159] : memref<10112x64xf32, #tpu.memory_space<vmem_shared>> -> memref<10112x64xf32, #tpu.memory_space<vmem_shared>>
        tpu.wait_indirect_dma semaphore(%run_scoped3A : memref<!tpu.dma_semaphore, #tpu.memory_space<semaphore_mem>>) src(%dma_wait3A_154 : memref<128x64xf32, #tpu.memory_space<vmem>>) dst(%dma_wait3A_160 : memref<10112x64xf32, #tpu.memory_space<vmem_shared>>)
        tpu.yield
      }) : () -> ()
      %lt3A_100 = arith.constant 39 : i32
      %lt3A_101 = arith.cmpi slt, %add3A_69, %lt3A_100 : i32
      %convert_element_type3A_102 = arith.extui %lt3A_101 : i1 to i32
      %cond3A_103 = arith.constant 0 : i32
      %cond3A_104 = arith.cmpi ne, %convert_element_type3A_102, %cond3A_103 : i32
      scf.if %cond3A_104 {
        %add3A_143 = arith.constant 4 : i32
        %add3A_144 = arith.addi %add3A_89, %add3A_143 : i32
        %dma_start3A_145 = arith.constant 0 : i32
        %dma_start3A_146 = tpu.memref_slice %arg7[%add3A_144, %dma_start3A_145] : memref<160x128xi32, #tpu.memory_space<vmem>> -> memref<1x128xi32, #tpu.memory_space<vmem>>
        %dma_start3A_147 = tpu.memref_squeeze %dma_start3A_146 : memref<1x128xi32, #tpu.memory_space<vmem>> -> memref<128xi32, #tpu.memory_space<vmem>>
        %dma_start3A_148 = arith.constant 0 : i32
        %dma_start3A_149 = arith.constant 0 : i32
        %dma_start3A_150 = tpu.memref_slice %arg2[%dma_start3A_148, %dma_start3A_149] : memref<20000x64xf32, #tpu.memory_space<hbm>> -> memref<20000x64xf32, #tpu.memory_space<hbm>>
        tpu.enqueue_indirect_dma source(%dma_start3A_150 : memref<20000x64xf32, #tpu.memory_space<hbm>>) target(%arg10 : memref<128x64xf32, #tpu.memory_space<vmem>>) offsets(%dma_start3A_147 : memref<128xi32, #tpu.memory_space<vmem>>) semaphore(%arg14 : memref<!tpu.dma_semaphore, #tpu.memory_space<semaphore_mem>>)
      } else {
      }
      %mul3A_105 = arith.constant 4 : i32
      %mul3A_106 = arith.muli %add3A_69, %mul3A_105 : i32
      %add3A_107 = arith.constant 2 : i32
      %add3A_108 = arith.addi %mul3A_106, %add3A_107 : i32
      %dma_wait3A_109 = arith.constant 0 : i32
      %dma_wait3A_110 = tpu.memref_slice %arg7[%add3A_108, %dma_wait3A_109] : memref<160x128xi32, #tpu.memory_space<vmem>> -> memref<1x128xi32, #tpu.memory_space<vmem>>
      %dma_wait3A_111 = tpu.memref_squeeze %dma_wait3A_110 : memref<1x128xi32, #tpu.memory_space<vmem>> -> memref<128xi32, #tpu.memory_space<vmem>>
      %dma_wait3A_112 = arith.constant 0 : i32
      %dma_wait3A_113 = arith.constant 0 : i32
      %dma_wait3A_114 = tpu.memref_slice %arg2[%dma_wait3A_112, %dma_wait3A_113] : memref<20000x64xf32, #tpu.memory_space<hbm>> -> memref<20000x64xf32, #tpu.memory_space<hbm>>
      tpu.wait_indirect_dma semaphore(%arg15 : memref<!tpu.dma_semaphore, #tpu.memory_space<semaphore_mem>>) src(%dma_wait3A_114 : memref<20000x64xf32, #tpu.memory_space<hbm>>) dst(%arg11 : memref<128x64xf32, #tpu.memory_space<vmem>>)
      %mul3A_115 = arith.constant 1 : i32
      %mul3A_116 = arith.muli %add3A_108, %mul3A_115 : i32
      %add3A_117 = arith.constant 0 : i32
      %add3A_118 = arith.addi %mul3A_116, %add3A_117 : i32
      "tpu.region"() ({
        %run_scoped3A = tpu.sem_alloc : memref<!tpu.dma_semaphore, #tpu.memory_space<semaphore_mem>>
        %dma_start3A_143 = arith.constant 0 : i32
        %dma_start3A_144 = arith.constant 0 : i32
        %dma_start3A_145 = tpu.memref_slice %arg11[%dma_start3A_143, %dma_start3A_144] : memref<128x64xf32, #tpu.memory_space<vmem>> -> memref<128x64xf32, #tpu.memory_space<vmem>>
        %dma_start3A_146 = arith.constant 0 : i32
        %dma_start3A_147 = tpu.memref_slice %arg8[%add3A_118, %dma_start3A_146] : memref<160x128xi32, #tpu.memory_space<vmem>> -> memref<1x128xi32, #tpu.memory_space<vmem>>
        %dma_start3A_148 = tpu.memref_squeeze %dma_start3A_147 : memref<1x128xi32, #tpu.memory_space<vmem>> -> memref<128xi32, #tpu.memory_space<vmem>>
        %dma_start3A_149 = arith.constant 0 : i32
        %dma_start3A_150 = arith.constant 0 : i32
        %dma_start3A_151 = tpu.memref_slice %arg18[%dma_start3A_149, %dma_start3A_150] : memref<10112x64xf32, #tpu.memory_space<vmem_shared>> -> memref<10112x64xf32, #tpu.memory_space<vmem_shared>>
        tpu.enqueue_indirect_dma source(%dma_start3A_145 : memref<128x64xf32, #tpu.memory_space<vmem>>) target(%dma_start3A_151 : memref<10112x64xf32, #tpu.memory_space<vmem_shared>>) offsets(%dma_start3A_148 : memref<128xi32, #tpu.memory_space<vmem>>) semaphore(%run_scoped3A : memref<!tpu.dma_semaphore, #tpu.memory_space<semaphore_mem>>) {add = true}
        %dma_wait3A_152 = arith.constant 0 : i32
        %dma_wait3A_153 = arith.constant 0 : i32
        %dma_wait3A_154 = tpu.memref_slice %arg11[%dma_wait3A_152, %dma_wait3A_153] : memref<128x64xf32, #tpu.memory_space<vmem>> -> memref<128x64xf32, #tpu.memory_space<vmem>>
        %dma_wait3A_155 = arith.constant 0 : i32
        %dma_wait3A_156 = tpu.memref_slice %arg8[%add3A_118, %dma_wait3A_155] : memref<160x128xi32, #tpu.memory_space<vmem>> -> memref<1x128xi32, #tpu.memory_space<vmem>>
        %dma_wait3A_157 = tpu.memref_squeeze %dma_wait3A_156 : memref<1x128xi32, #tpu.memory_space<vmem>> -> memref<128xi32, #tpu.memory_space<vmem>>
        %dma_wait3A_158 = arith.constant 0 : i32
        %dma_wait3A_159 = arith.constant 0 : i32
        %dma_wait3A_160 = tpu.memref_slice %arg18[%dma_wait3A_158, %dma_wait3A_159] : memref<10112x64xf32, #tpu.memory_space<vmem_shared>> -> memref<10112x64xf32, #tpu.memory_space<vmem_shared>>
        tpu.wait_indirect_dma semaphore(%run_scoped3A : memref<!tpu.dma_semaphore, #tpu.memory_space<semaphore_mem>>) src(%dma_wait3A_154 : memref<128x64xf32, #tpu.memory_space<vmem>>) dst(%dma_wait3A_160 : memref<10112x64xf32, #tpu.memory_space<vmem_shared>>)
        tpu.yield
      }) : () -> ()
      %lt3A_119 = arith.constant 39 : i32
      %lt3A_120 = arith.cmpi slt, %add3A_69, %lt3A_119 : i32
      %convert_element_type3A_121 = arith.extui %lt3A_120 : i1 to i32
      %cond3A_122 = arith.constant 0 : i32
      %cond3A_123 = arith.cmpi ne, %convert_element_type3A_121, %cond3A_122 : i32
      scf.if %cond3A_123 {
        %add3A_143 = arith.constant 4 : i32
        %add3A_144 = arith.addi %add3A_108, %add3A_143 : i32
        %dma_start3A_145 = arith.constant 0 : i32
        %dma_start3A_146 = tpu.memref_slice %arg7[%add3A_144, %dma_start3A_145] : memref<160x128xi32, #tpu.memory_space<vmem>> -> memref<1x128xi32, #tpu.memory_space<vmem>>
        %dma_start3A_147 = tpu.memref_squeeze %dma_start3A_146 : memref<1x128xi32, #tpu.memory_space<vmem>> -> memref<128xi32, #tpu.memory_space<vmem>>
        %dma_start3A_148 = arith.constant 0 : i32
        %dma_start3A_149 = arith.constant 0 : i32
        %dma_start3A_150 = tpu.memref_slice %arg2[%dma_start3A_148, %dma_start3A_149] : memref<20000x64xf32, #tpu.memory_space<hbm>> -> memref<20000x64xf32, #tpu.memory_space<hbm>>
        tpu.enqueue_indirect_dma source(%dma_start3A_150 : memref<20000x64xf32, #tpu.memory_space<hbm>>) target(%arg11 : memref<128x64xf32, #tpu.memory_space<vmem>>) offsets(%dma_start3A_147 : memref<128xi32, #tpu.memory_space<vmem>>) semaphore(%arg15 : memref<!tpu.dma_semaphore, #tpu.memory_space<semaphore_mem>>)
      } else {
      }
      %mul3A_124 = arith.constant 4 : i32
      %mul3A_125 = arith.muli %add3A_69, %mul3A_124 : i32
      %add3A_126 = arith.constant 3 : i32
      %add3A_127 = arith.addi %mul3A_125, %add3A_126 : i32
      %dma_wait3A_128 = arith.constant 0 : i32
      %dma_wait3A_129 = tpu.memref_slice %arg7[%add3A_127, %dma_wait3A_128] : memref<160x128xi32, #tpu.memory_space<vmem>> -> memref<1x128xi32, #tpu.memory_space<vmem>>
      %dma_wait3A_130 = tpu.memref_squeeze %dma_wait3A_129 : memref<1x128xi32, #tpu.memory_space<vmem>> -> memref<128xi32, #tpu.memory_space<vmem>>
      %dma_wait3A_131 = arith.constant 0 : i32
      %dma_wait3A_132 = arith.constant 0 : i32
      %dma_wait3A_133 = tpu.memref_slice %arg2[%dma_wait3A_131, %dma_wait3A_132] : memref<20000x64xf32, #tpu.memory_space<hbm>> -> memref<20000x64xf32, #tpu.memory_space<hbm>>
      tpu.wait_indirect_dma semaphore(%arg16 : memref<!tpu.dma_semaphore, #tpu.memory_space<semaphore_mem>>) src(%dma_wait3A_133 : memref<20000x64xf32, #tpu.memory_space<hbm>>) dst(%arg12 : memref<128x64xf32, #tpu.memory_space<vmem>>)
      %mul3A_134 = arith.constant 1 : i32
      %mul3A_135 = arith.muli %add3A_127, %mul3A_134 : i32
      %add3A_136 = arith.constant 0 : i32
      %add3A_137 = arith.addi %mul3A_135, %add3A_136 : i32
      "tpu.region"() ({
        %run_scoped3A = tpu.sem_alloc : memref<!tpu.dma_semaphore, #tpu.memory_space<semaphore_mem>>
        %dma_start3A_143 = arith.constant 0 : i32
        %dma_start3A_144 = arith.constant 0 : i32
        %dma_start3A_145 = tpu.memref_slice %arg12[%dma_start3A_143, %dma_start3A_144] : memref<128x64xf32, #tpu.memory_space<vmem>> -> memref<128x64xf32, #tpu.memory_space<vmem>>
        %dma_start3A_146 = arith.constant 0 : i32
        %dma_start3A_147 = tpu.memref_slice %arg8[%add3A_137, %dma_start3A_146] : memref<160x128xi32, #tpu.memory_space<vmem>> -> memref<1x128xi32, #tpu.memory_space<vmem>>
        %dma_start3A_148 = tpu.memref_squeeze %dma_start3A_147 : memref<1x128xi32, #tpu.memory_space<vmem>> -> memref<128xi32, #tpu.memory_space<vmem>>
        %dma_start3A_149 = arith.constant 0 : i32
        %dma_start3A_150 = arith.constant 0 : i32
        %dma_start3A_151 = tpu.memref_slice %arg18[%dma_start3A_149, %dma_start3A_150] : memref<10112x64xf32, #tpu.memory_space<vmem_shared>> -> memref<10112x64xf32, #tpu.memory_space<vmem_shared>>
        tpu.enqueue_indirect_dma source(%dma_start3A_145 : memref<128x64xf32, #tpu.memory_space<vmem>>) target(%dma_start3A_151 : memref<10112x64xf32, #tpu.memory_space<vmem_shared>>) offsets(%dma_start3A_148 : memref<128xi32, #tpu.memory_space<vmem>>) semaphore(%run_scoped3A : memref<!tpu.dma_semaphore, #tpu.memory_space<semaphore_mem>>) {add = true}
        %dma_wait3A_152 = arith.constant 0 : i32
        %dma_wait3A_153 = arith.constant 0 : i32
        %dma_wait3A_154 = tpu.memref_slice %arg12[%dma_wait3A_152, %dma_wait3A_153] : memref<128x64xf32, #tpu.memory_space<vmem>> -> memref<128x64xf32, #tpu.memory_space<vmem>>
        %dma_wait3A_155 = arith.constant 0 : i32
        %dma_wait3A_156 = tpu.memref_slice %arg8[%add3A_137, %dma_wait3A_155] : memref<160x128xi32, #tpu.memory_space<vmem>> -> memref<1x128xi32, #tpu.memory_space<vmem>>
        %dma_wait3A_157 = tpu.memref_squeeze %dma_wait3A_156 : memref<1x128xi32, #tpu.memory_space<vmem>> -> memref<128xi32, #tpu.memory_space<vmem>>
        %dma_wait3A_158 = arith.constant 0 : i32
        %dma_wait3A_159 = arith.constant 0 : i32
        %dma_wait3A_160 = tpu.memref_slice %arg18[%dma_wait3A_158, %dma_wait3A_159] : memref<10112x64xf32, #tpu.memory_space<vmem_shared>> -> memref<10112x64xf32, #tpu.memory_space<vmem_shared>>
        tpu.wait_indirect_dma semaphore(%run_scoped3A : memref<!tpu.dma_semaphore, #tpu.memory_space<semaphore_mem>>) src(%dma_wait3A_154 : memref<128x64xf32, #tpu.memory_space<vmem>>) dst(%dma_wait3A_160 : memref<10112x64xf32, #tpu.memory_space<vmem_shared>>)
        tpu.yield
      }) : () -> ()
      %lt3A_138 = arith.constant 39 : i32
      %lt3A_139 = arith.cmpi slt, %add3A_69, %lt3A_138 : i32
      %convert_element_type3A_140 = arith.extui %lt3A_139 : i1 to i32
      %cond3A_141 = arith.constant 0 : i32
      %cond3A_142 = arith.cmpi ne, %convert_element_type3A_140, %cond3A_141 : i32
      scf.if %cond3A_142 {
        %add3A_143 = arith.constant 4 : i32
        %add3A_144 = arith.addi %add3A_127, %add3A_143 : i32
        %dma_start3A_145 = arith.constant 0 : i32
        %dma_start3A_146 = tpu.memref_slice %arg7[%add3A_144, %dma_start3A_145] : memref<160x128xi32, #tpu.memory_space<vmem>> -> memref<1x128xi32, #tpu.memory_space<vmem>>
        %dma_start3A_147 = tpu.memref_squeeze %dma_start3A_146 : memref<1x128xi32, #tpu.memory_space<vmem>> -> memref<128xi32, #tpu.memory_space<vmem>>
        %dma_start3A_148 = arith.constant 0 : i32
        %dma_start3A_149 = arith.constant 0 : i32
        %dma_start3A_150 = tpu.memref_slice %arg2[%dma_start3A_148, %dma_start3A_149] : memref<20000x64xf32, #tpu.memory_space<hbm>> -> memref<20000x64xf32, #tpu.memory_space<hbm>>
        tpu.enqueue_indirect_dma source(%dma_start3A_150 : memref<20000x64xf32, #tpu.memory_space<hbm>>) target(%arg12 : memref<128x64xf32, #tpu.memory_space<vmem>>) offsets(%dma_start3A_147 : memref<128xi32, #tpu.memory_space<vmem>>) semaphore(%arg16 : memref<!tpu.dma_semaphore, #tpu.memory_space<semaphore_mem>>)
      } else {
      }
    }
    %scan3A_60 = arith.constant 40 : i32
    %barrier3A_61 = arith.constant 0 : index
    tpu.barrier barrier_id(%barrier3A_61)
    %mul3A_62 = arith.constant 632 : i32
    %mul3A_63 = arith.muli %arg1, %mul3A_62 : i32
    %mul3A_64 = arith.constant 632 : i32
    %mul3A_65 = arith.muli %arg1, %mul3A_64 : i32
    "tpu.region"() ({
      %run_scoped3A = tpu.sem_alloc : memref<!tpu.dma_semaphore, #tpu.memory_space<semaphore_mem>>
      %dma_start3A_66 = arith.constant 0 : i32
      %dma_start3A_67 = tpu.memref_slice %arg6[%arg0, %mul3A_65, %dma_start3A_66] : memref<2x10112x64xf32, #tpu.memory_space<hbm>> -> memref<1x632x64xf32, #tpu.memory_space<hbm>>
      %dma_start3A_68 = tpu.memref_squeeze %dma_start3A_67 : memref<1x632x64xf32, #tpu.memory_space<hbm>> -> memref<632x64xf32, #tpu.memory_space<hbm>>
      %dma_start3A_69 = arith.constant 0 : i32
      %dma_start3A_70 = tpu.memref_slice %arg18[%mul3A_63, %dma_start3A_69] : memref<10112x64xf32, #tpu.memory_space<vmem_shared>> -> memref<632x64xf32, #tpu.memory_space<vmem_shared>>
      tpu.enqueue_dma source(%dma_start3A_70 : memref<632x64xf32, #tpu.memory_space<vmem_shared>>) target(%dma_start3A_68 : memref<632x64xf32, #tpu.memory_space<hbm>>) target_semaphore(%run_scoped3A : memref<!tpu.dma_semaphore, #tpu.memory_space<semaphore_mem>>)
      %dma_wait3A_71 = arith.constant 0 : i32
      %dma_wait3A_72 = tpu.memref_slice %arg6[%arg0, %mul3A_65, %dma_wait3A_71] : memref<2x10112x64xf32, #tpu.memory_space<hbm>> -> memref<1x632x64xf32, #tpu.memory_space<hbm>>
      %dma_wait3A_73 = tpu.memref_squeeze %dma_wait3A_72 : memref<1x632x64xf32, #tpu.memory_space<hbm>> -> memref<632x64xf32, #tpu.memory_space<hbm>>
      %dma_wait3A_74 = arith.constant 0 : i32
      %dma_wait3A_75 = tpu.memref_slice %arg18[%mul3A_63, %dma_wait3A_74] : memref<10112x64xf32, #tpu.memory_space<vmem_shared>> -> memref<632x64xf32, #tpu.memory_space<vmem_shared>>
      tpu.wait_dma2 semaphore(%run_scoped3A : memref<!tpu.dma_semaphore, #tpu.memory_space<semaphore_mem>>) src(%dma_wait3A_75 : memref<632x64xf32, #tpu.memory_space<vmem_shared>>) dst(%dma_wait3A_73 : memref<632x64xf32, #tpu.memory_space<hbm>>)
      tpu.yield
    }) : () -> ()
    return
  }
}

#map = affine_map<(d0, d1) -> (0, 0)>
#map1 = affine_map<(d0, d1) -> (0, 0, 0)>
module attributes {stable_mosaic.version = 14 : i64} {
  func.func @agg_kernel(%arg0: i32, %arg1: i32, %arg2: memref<20000x64xf32, #tpu.memory_space<hbm>>, %arg3: memref<2x2560x128xi32, #tpu.memory_space<hbm>>, %arg4: memref<2560x128xi32, #tpu.memory_space<hbm>>, %arg5: memref<10112x64xf32, #tpu.memory_space<hbm>>, %arg6: memref<2x10112x64xf32, #tpu.memory_space<hbm>>, %arg7: memref<160x128xi32, #tpu.memory_space<vmem>>, %arg8: memref<160x128xi32, #tpu.memory_space<vmem>>, %arg9: memref<128x64xf32, #tpu.memory_space<vmem>>, %arg10: memref<128x64xf32, #tpu.memory_space<vmem>>, %arg11: memref<128x64xf32, #tpu.memory_space<vmem>>, %arg12: memref<128x64xf32, #tpu.memory_space<vmem>>, %arg13: memref<!tpu.dma_semaphore, #tpu.memory_space<semaphore_mem>>, %arg14: memref<!tpu.dma_semaphore, #tpu.memory_space<semaphore_mem>>, %arg15: memref<!tpu.dma_semaphore, #tpu.memory_space<semaphore_mem>>, %arg16: memref<!tpu.dma_semaphore, #tpu.memory_space<semaphore_mem>>, %arg17: memref<!tpu.dma_semaphore, #tpu.memory_space<semaphore_mem>>, %arg18: memref<10112x64xf32, #tpu.memory_space<vmem_shared>>) attributes {dimension_semantics = [#tpu.dimension_semantics<core_parallel>, #tpu.dimension_semantics<subcore_parallel>], iteration_bounds = array<i64: 2, 16>, scalar_prefetch = 0 : i64, scratch_operands = 12 : i64, tpu.core_type = #tpu.core_type<sc_vector_subcore>, window_params = [{transform_indices = #map}, {transform_indices = #map1}, {transform_indices = #map}, {transform_indices = #map}, {transform_indices = #map1}]} {
    %mul3A = arith.constant 160 : i32
    %mul3A_0 = arith.muli %arg1, %mul3A : i32
    %dma_start3A = arith.constant 0 : i32
    %dma_start3A_1 = tpu.memref_slice %arg3[%arg0, %mul3A_0, %dma_start3A] : memref<2x2560x128xi32, #tpu.memory_space<hbm>> -> memref<1x160x128xi32, #tpu.memory_space<hbm>>
    %dma_start3A_2 = tpu.memref_squeeze %dma_start3A_1 : memref<1x160x128xi32, #tpu.memory_space<hbm>> -> memref<160x128xi32, #tpu.memory_space<hbm>>
    %dma_start3A_3 = arith.constant 0 : i32
    %dma_start3A_4 = tpu.memref_slice %arg3[%arg0, %mul3A_0, %dma_start3A_3] : memref<2x2560x128xi32, #tpu.memory_space<hbm>> -> memref<1x160x128xi32, #tpu.memory_space<hbm>>
    %dma_start3A_5 = tpu.memref_squeeze %dma_start3A_4 : memref<1x160x128xi32, #tpu.memory_space<hbm>> -> memref<160x128xi32, #tpu.memory_space<hbm>>
    tpu.enqueue_dma source(%dma_start3A_5 : memref<160x128xi32, #tpu.memory_space<hbm>>) target(%arg7 : memref<160x128xi32, #tpu.memory_space<vmem>>) target_semaphore(%arg17 : memref<!tpu.dma_semaphore, #tpu.memory_space<semaphore_mem>>)
    %mul3A_6 = arith.constant 160 : i32
    %mul3A_7 = arith.muli %arg1, %mul3A_6 : i32
    %dma_start3A_8 = arith.constant 0 : i32
    %dma_start3A_9 = tpu.memref_slice %arg4[%mul3A_7, %dma_start3A_8] : memref<2560x128xi32, #tpu.memory_space<hbm>> -> memref<160x128xi32, #tpu.memory_space<hbm>>
    %dma_start3A_10 = arith.constant 0 : i32
    %dma_start3A_11 = tpu.memref_slice %arg4[%mul3A_7, %dma_start3A_10] : memref<2560x128xi32, #tpu.memory_space<hbm>> -> memref<160x128xi32, #tpu.memory_space<hbm>>
    tpu.enqueue_dma source(%dma_start3A_11 : memref<160x128xi32, #tpu.memory_space<hbm>>) target(%arg8 : memref<160x128xi32, #tpu.memory_space<vmem>>) target_semaphore(%arg17 : memref<!tpu.dma_semaphore, #tpu.memory_space<semaphore_mem>>)
    %mul3A_12 = arith.constant 632 : i32
    %mul3A_13 = arith.muli %arg1, %mul3A_12 : i32
    %mul3A_14 = arith.constant 632 : i32
    %mul3A_15 = arith.muli %arg1, %mul3A_14 : i32
    "tpu.region"() ({
      %run_scoped3A = tpu.sem_alloc : memref<!tpu.dma_semaphore, #tpu.memory_space<semaphore_mem>>
      %dma_start3A_66 = arith.constant 0 : i32
      %dma_start3A_67 = tpu.memref_slice %arg18[%mul3A_15, %dma_start3A_66] : memref<10112x64xf32, #tpu.memory_space<vmem_shared>> -> memref<632x64xf32, #tpu.memory_space<vmem_shared>>
      %dma_start3A_68 = arith.constant 0 : i32
      %dma_start3A_69 = tpu.memref_slice %arg5[%mul3A_13, %dma_start3A_68] : memref<10112x64xf32, #tpu.memory_space<hbm>> -> memref<632x64xf32, #tpu.memory_space<hbm>>
      tpu.enqueue_dma source(%dma_start3A_69 : memref<632x64xf32, #tpu.memory_space<hbm>>) target(%dma_start3A_67 : memref<632x64xf32, #tpu.memory_space<vmem_shared>>) target_semaphore(%run_scoped3A : memref<!tpu.dma_semaphore, #tpu.memory_space<semaphore_mem>>)
      %dma_wait3A_70 = arith.constant 0 : i32
      %dma_wait3A_71 = tpu.memref_slice %arg18[%mul3A_15, %dma_wait3A_70] : memref<10112x64xf32, #tpu.memory_space<vmem_shared>> -> memref<632x64xf32, #tpu.memory_space<vmem_shared>>
      %dma_wait3A_72 = arith.constant 0 : i32
      %dma_wait3A_73 = tpu.memref_slice %arg5[%mul3A_13, %dma_wait3A_72] : memref<10112x64xf32, #tpu.memory_space<hbm>> -> memref<632x64xf32, #tpu.memory_space<hbm>>
      tpu.wait_dma2 semaphore(%run_scoped3A : memref<!tpu.dma_semaphore, #tpu.memory_space<semaphore_mem>>) src(%dma_wait3A_73 : memref<632x64xf32, #tpu.memory_space<hbm>>) dst(%dma_wait3A_71 : memref<632x64xf32, #tpu.memory_space<vmem_shared>>)
      tpu.yield
    }) : () -> ()
    %mul3A_16 = arith.constant 160 : i32
    %mul3A_17 = arith.muli %arg1, %mul3A_16 : i32
    %dma_wait3A = arith.constant 0 : i32
    %dma_wait3A_18 = tpu.memref_slice %arg3[%arg0, %mul3A_17, %dma_wait3A] : memref<2x2560x128xi32, #tpu.memory_space<hbm>> -> memref<1x160x128xi32, #tpu.memory_space<hbm>>
    %dma_wait3A_19 = tpu.memref_squeeze %dma_wait3A_18 : memref<1x160x128xi32, #tpu.memory_space<hbm>> -> memref<160x128xi32, #tpu.memory_space<hbm>>
    %dma_wait3A_20 = arith.constant 0 : i32
    %dma_wait3A_21 = tpu.memref_slice %arg3[%arg0, %mul3A_17, %dma_wait3A_20] : memref<2x2560x128xi32, #tpu.memory_space<hbm>> -> memref<1x160x128xi32, #tpu.memory_space<hbm>>
    %dma_wait3A_22 = tpu.memref_squeeze %dma_wait3A_21 : memref<1x160x128xi32, #tpu.memory_space<hbm>> -> memref<160x128xi32, #tpu.memory_space<hbm>>
    tpu.wait_dma2 semaphore(%arg17 : memref<!tpu.dma_semaphore, #tpu.memory_space<semaphore_mem>>) src(%dma_wait3A_22 : memref<160x128xi32, #tpu.memory_space<hbm>>) dst(%arg7 : memref<160x128xi32, #tpu.memory_space<vmem>>)
    %mul3A_23 = arith.constant 160 : i32
    %mul3A_24 = arith.muli %arg1, %mul3A_23 : i32
    %dma_wait3A_25 = arith.constant 0 : i32
    %dma_wait3A_26 = tpu.memref_slice %arg4[%mul3A_24, %dma_wait3A_25] : memref<2560x128xi32, #tpu.memory_space<hbm>> -> memref<160x128xi32, #tpu.memory_space<hbm>>
    %dma_wait3A_27 = arith.constant 0 : i32
    %dma_wait3A_28 = tpu.memref_slice %arg4[%mul3A_24, %dma_wait3A_27] : memref<2560x128xi32, #tpu.memory_space<hbm>> -> memref<160x128xi32, #tpu.memory_space<hbm>>
    tpu.wait_dma2 semaphore(%arg17 : memref<!tpu.dma_semaphore, #tpu.memory_space<semaphore_mem>>) src(%dma_wait3A_28 : memref<160x128xi32, #tpu.memory_space<hbm>>) dst(%arg8 : memref<160x128xi32, #tpu.memory_space<vmem>>)
    %barrier3A = arith.constant 0 : index
    tpu.barrier barrier_id(%barrier3A)
    %dma_start3A_29 = arith.constant 0 : i32
    %dma_start3A_30 = arith.constant 0 : i32
    %dma_start3A_31 = tpu.memref_slice %arg7[%dma_start3A_29, %dma_start3A_30] : memref<160x128xi32, #tpu.memory_space<vmem>> -> memref<1x128xi32, #tpu.memory_space<vmem>>
    %dma_start3A_32 = tpu.memref_squeeze %dma_start3A_31 : memref<1x128xi32, #tpu.memory_space<vmem>> -> memref<128xi32, #tpu.memory_space<vmem>>
    %dma_start3A_33 = arith.constant 0 : i32
    %dma_start3A_34 = arith.constant 0 : i32
    %dma_start3A_35 = tpu.memref_slice %arg2[%dma_start3A_33, %dma_start3A_34] : memref<20000x64xf32, #tpu.memory_space<hbm>> -> memref<20000x64xf32, #tpu.memory_space<hbm>>
    tpu.enqueue_indirect_dma source(%dma_start3A_35 : memref<20000x64xf32, #tpu.memory_space<hbm>>) target(%arg9 : memref<128x64xf32, #tpu.memory_space<vmem>>) offsets(%dma_start3A_32 : memref<128xi32, #tpu.memory_space<vmem>>) semaphore(%arg13 : memref<!tpu.dma_semaphore, #tpu.memory_space<semaphore_mem>>)
    %dma_start3A_36 = arith.constant 1 : i32
    %dma_start3A_37 = arith.constant 0 : i32
    %dma_start3A_38 = tpu.memref_slice %arg7[%dma_start3A_36, %dma_start3A_37] : memref<160x128xi32, #tpu.memory_space<vmem>> -> memref<1x128xi32, #tpu.memory_space<vmem>>
    %dma_start3A_39 = tpu.memref_squeeze %dma_start3A_38 : memref<1x128xi32, #tpu.memory_space<vmem>> -> memref<128xi32, #tpu.memory_space<vmem>>
    %dma_start3A_40 = arith.constant 0 : i32
    %dma_start3A_41 = arith.constant 0 : i32
    %dma_start3A_42 = tpu.memref_slice %arg2[%dma_start3A_40, %dma_start3A_41] : memref<20000x64xf32, #tpu.memory_space<hbm>> -> memref<20000x64xf32, #tpu.memory_space<hbm>>
    tpu.enqueue_indirect_dma source(%dma_start3A_42 : memref<20000x64xf32, #tpu.memory_space<hbm>>) target(%arg10 : memref<128x64xf32, #tpu.memory_space<vmem>>) offsets(%dma_start3A_39 : memref<128xi32, #tpu.memory_space<vmem>>) semaphore(%arg14 : memref<!tpu.dma_semaphore, #tpu.memory_space<semaphore_mem>>)
    %dma_start3A_43 = arith.constant 2 : i32
    %dma_start3A_44 = arith.constant 0 : i32
    %dma_start3A_45 = tpu.memref_slice %arg7[%dma_start3A_43, %dma_start3A_44] : memref<160x128xi32, #tpu.memory_space<vmem>> -> memref<1x128xi32, #tpu.memory_space<vmem>>
    %dma_start3A_46 = tpu.memref_squeeze %dma_start3A_45 : memref<1x128xi32, #tpu.memory_space<vmem>> -> memref<128xi32, #tpu.memory_space<vmem>>
    %dma_start3A_47 = arith.constant 0 : i32
    %dma_start3A_48 = arith.constant 0 : i32
    %dma_start3A_49 = tpu.memref_slice %arg2[%dma_start3A_47, %dma_start3A_48] : memref<20000x64xf32, #tpu.memory_space<hbm>> -> memref<20000x64xf32, #tpu.memory_space<hbm>>
    tpu.enqueue_indirect_dma source(%dma_start3A_49 : memref<20000x64xf32, #tpu.memory_space<hbm>>) target(%arg11 : memref<128x64xf32, #tpu.memory_space<vmem>>) offsets(%dma_start3A_46 : memref<128xi32, #tpu.memory_space<vmem>>) semaphore(%arg15 : memref<!tpu.dma_semaphore, #tpu.memory_space<semaphore_mem>>)
    %dma_start3A_50 = arith.constant 3 : i32
    %dma_start3A_51 = arith.constant 0 : i32
    %dma_start3A_52 = tpu.memref_slice %arg7[%dma_start3A_50, %dma_start3A_51] : memref<160x128xi32, #tpu.memory_space<vmem>> -> memref<1x128xi32, #tpu.memory_space<vmem>>
    %dma_start3A_53 = tpu.memref_squeeze %dma_start3A_52 : memref<1x128xi32, #tpu.memory_space<vmem>> -> memref<128xi32, #tpu.memory_space<vmem>>
    %dma_start3A_54 = arith.constant 0 : i32
    %dma_start3A_55 = arith.constant 0 : i32
    %dma_start3A_56 = tpu.memref_slice %arg2[%dma_start3A_54, %dma_start3A_55] : memref<20000x64xf32, #tpu.memory_space<hbm>> -> memref<20000x64xf32, #tpu.memory_space<hbm>>
    tpu.enqueue_indirect_dma source(%dma_start3A_56 : memref<20000x64xf32, #tpu.memory_space<hbm>>) target(%arg12 : memref<128x64xf32, #tpu.memory_space<vmem>>) offsets(%dma_start3A_53 : memref<128xi32, #tpu.memory_space<vmem>>) semaphore(%arg16 : memref<!tpu.dma_semaphore, #tpu.memory_space<semaphore_mem>>)
    %scan3A = arith.constant 0 : i32
    %scan3A_57 = arith.constant 40 : i32
    %scan3A_58 = arith.addi %scan3A, %scan3A_57 : i32
    %scan3A_59 = arith.constant 1 : i32
    scf.for %scan3A_66 = %scan3A to %scan3A_58 step %scan3A_59  : i32 {
      %mul3A_67 = arith.constant 1 : i32
      %mul3A_68 = arith.muli %scan3A_66, %mul3A_67 : i32
      %add3A = arith.constant 0 : i32
      %add3A_69 = arith.addi %add3A, %mul3A_68 : i32
      %mul3A_70 = arith.constant 4 : i32
      %mul3A_71 = arith.muli %add3A_69, %mul3A_70 : i32
      %add3A_72 = arith.constant 0 : i32
      %add3A_73 = arith.addi %mul3A_71, %add3A_72 : i32
      %dma_wait3A_74 = arith.constant 0 : i32
      %dma_wait3A_75 = tpu.memref_slice %arg7[%add3A_73, %dma_wait3A_74] : memref<160x128xi32, #tpu.memory_space<vmem>> -> memref<1x128xi32, #tpu.memory_space<vmem>>
      %dma_wait3A_76 = tpu.memref_squeeze %dma_wait3A_75 : memref<1x128xi32, #tpu.memory_space<vmem>> -> memref<128xi32, #tpu.memory_space<vmem>>
      %dma_wait3A_77 = arith.constant 0 : i32
      %dma_wait3A_78 = arith.constant 0 : i32
      %dma_wait3A_79 = tpu.memref_slice %arg2[%dma_wait3A_77, %dma_wait3A_78] : memref<20000x64xf32, #tpu.memory_space<hbm>> -> memref<20000x64xf32, #tpu.memory_space<hbm>>
      tpu.wait_indirect_dma semaphore(%arg13 : memref<!tpu.dma_semaphore, #tpu.memory_space<semaphore_mem>>) src(%dma_wait3A_79 : memref<20000x64xf32, #tpu.memory_space<hbm>>) dst(%arg9 : memref<128x64xf32, #tpu.memory_space<vmem>>)
      %mul3A_80 = arith.constant 1 : i32
      %mul3A_81 = arith.muli %add3A_73, %mul3A_80 : i32
      %add3A_82 = arith.constant 0 : i32
      %add3A_83 = arith.addi %mul3A_81, %add3A_82 : i32
      "tpu.region"() ({
        %run_scoped3A = tpu.sem_alloc : memref<!tpu.dma_semaphore, #tpu.memory_space<semaphore_mem>>
        %dma_start3A_143 = arith.constant 0 : i32
        %dma_start3A_144 = arith.constant 0 : i32
        %dma_start3A_145 = tpu.memref_slice %arg9[%dma_start3A_143, %dma_start3A_144] : memref<128x64xf32, #tpu.memory_space<vmem>> -> memref<128x64xf32, #tpu.memory_space<vmem>>
        %dma_start3A_146 = arith.constant 0 : i32
        %dma_start3A_147 = tpu.memref_slice %arg8[%add3A_83, %dma_start3A_146] : memref<160x128xi32, #tpu.memory_space<vmem>> -> memref<1x128xi32, #tpu.memory_space<vmem>>
        %dma_start3A_148 = tpu.memref_squeeze %dma_start3A_147 : memref<1x128xi32, #tpu.memory_space<vmem>> -> memref<128xi32, #tpu.memory_space<vmem>>
        %dma_start3A_149 = arith.constant 0 : i32
        %dma_start3A_150 = arith.constant 0 : i32
        %dma_start3A_151 = tpu.memref_slice %arg18[%dma_start3A_149, %dma_start3A_150] : memref<10112x64xf32, #tpu.memory_space<vmem_shared>> -> memref<10112x64xf32, #tpu.memory_space<vmem_shared>>
        tpu.enqueue_indirect_dma source(%dma_start3A_145 : memref<128x64xf32, #tpu.memory_space<vmem>>) target(%dma_start3A_151 : memref<10112x64xf32, #tpu.memory_space<vmem_shared>>) offsets(%dma_start3A_148 : memref<128xi32, #tpu.memory_space<vmem>>) semaphore(%run_scoped3A : memref<!tpu.dma_semaphore, #tpu.memory_space<semaphore_mem>>) {add = true}
        %dma_wait3A_152 = arith.constant 0 : i32
        %dma_wait3A_153 = arith.constant 0 : i32
        %dma_wait3A_154 = tpu.memref_slice %arg9[%dma_wait3A_152, %dma_wait3A_153] : memref<128x64xf32, #tpu.memory_space<vmem>> -> memref<128x64xf32, #tpu.memory_space<vmem>>
        %dma_wait3A_155 = arith.constant 0 : i32
        %dma_wait3A_156 = tpu.memref_slice %arg8[%add3A_83, %dma_wait3A_155] : memref<160x128xi32, #tpu.memory_space<vmem>> -> memref<1x128xi32, #tpu.memory_space<vmem>>
        %dma_wait3A_157 = tpu.memref_squeeze %dma_wait3A_156 : memref<1x128xi32, #tpu.memory_space<vmem>> -> memref<128xi32, #tpu.memory_space<vmem>>
        %dma_wait3A_158 = arith.constant 0 : i32
        %dma_wait3A_159 = arith.constant 0 : i32
        %dma_wait3A_160 = tpu.memref_slice %arg18[%dma_wait3A_158, %dma_wait3A_159] : memref<10112x64xf32, #tpu.memory_space<vmem_shared>> -> memref<10112x64xf32, #tpu.memory_space<vmem_shared>>
        tpu.wait_indirect_dma semaphore(%run_scoped3A : memref<!tpu.dma_semaphore, #tpu.memory_space<semaphore_mem>>) src(%dma_wait3A_154 : memref<128x64xf32, #tpu.memory_space<vmem>>) dst(%dma_wait3A_160 : memref<10112x64xf32, #tpu.memory_space<vmem_shared>>)
        tpu.yield
      }) : () -> ()
      %lt3A = arith.constant 39 : i32
      %lt3A_84 = arith.cmpi slt, %add3A_69, %lt3A : i32
      %convert_element_type3A = arith.extui %lt3A_84 : i1 to i32
      %cond3A = arith.constant 0 : i32
      %cond3A_85 = arith.cmpi ne, %convert_element_type3A, %cond3A : i32
      scf.if %cond3A_85 {
        %add3A_143 = arith.constant 4 : i32
        %add3A_144 = arith.addi %add3A_73, %add3A_143 : i32
        %dma_start3A_145 = arith.constant 0 : i32
        %dma_start3A_146 = tpu.memref_slice %arg7[%add3A_144, %dma_start3A_145] : memref<160x128xi32, #tpu.memory_space<vmem>> -> memref<1x128xi32, #tpu.memory_space<vmem>>
        %dma_start3A_147 = tpu.memref_squeeze %dma_start3A_146 : memref<1x128xi32, #tpu.memory_space<vmem>> -> memref<128xi32, #tpu.memory_space<vmem>>
        %dma_start3A_148 = arith.constant 0 : i32
        %dma_start3A_149 = arith.constant 0 : i32
        %dma_start3A_150 = tpu.memref_slice %arg2[%dma_start3A_148, %dma_start3A_149] : memref<20000x64xf32, #tpu.memory_space<hbm>> -> memref<20000x64xf32, #tpu.memory_space<hbm>>
        tpu.enqueue_indirect_dma source(%dma_start3A_150 : memref<20000x64xf32, #tpu.memory_space<hbm>>) target(%arg9 : memref<128x64xf32, #tpu.memory_space<vmem>>) offsets(%dma_start3A_147 : memref<128xi32, #tpu.memory_space<vmem>>) semaphore(%arg13 : memref<!tpu.dma_semaphore, #tpu.memory_space<semaphore_mem>>)
      } else {
      }
      %mul3A_86 = arith.constant 4 : i32
      %mul3A_87 = arith.muli %add3A_69, %mul3A_86 : i32
      %add3A_88 = arith.constant 1 : i32
      %add3A_89 = arith.addi %mul3A_87, %add3A_88 : i32
      %dma_wait3A_90 = arith.constant 0 : i32
      %dma_wait3A_91 = tpu.memref_slice %arg7[%add3A_89, %dma_wait3A_90] : memref<160x128xi32, #tpu.memory_space<vmem>> -> memref<1x128xi32, #tpu.memory_space<vmem>>
      %dma_wait3A_92 = tpu.memref_squeeze %dma_wait3A_91 : memref<1x128xi32, #tpu.memory_space<vmem>> -> memref<128xi32, #tpu.memory_space<vmem>>
      %dma_wait3A_93 = arith.constant 0 : i32
      %dma_wait3A_94 = arith.constant 0 : i32
      %dma_wait3A_95 = tpu.memref_slice %arg2[%dma_wait3A_93, %dma_wait3A_94] : memref<20000x64xf32, #tpu.memory_space<hbm>> -> memref<20000x64xf32, #tpu.memory_space<hbm>>
      tpu.wait_indirect_dma semaphore(%arg14 : memref<!tpu.dma_semaphore, #tpu.memory_space<semaphore_mem>>) src(%dma_wait3A_95 : memref<20000x64xf32, #tpu.memory_space<hbm>>) dst(%arg10 : memref<128x64xf32, #tpu.memory_space<vmem>>)
      %mul3A_96 = arith.constant 1 : i32
      %mul3A_97 = arith.muli %add3A_89, %mul3A_96 : i32
      %add3A_98 = arith.constant 0 : i32
      %add3A_99 = arith.addi %mul3A_97, %add3A_98 : i32
      "tpu.region"() ({
        %run_scoped3A = tpu.sem_alloc : memref<!tpu.dma_semaphore, #tpu.memory_space<semaphore_mem>>
        %dma_start3A_143 = arith.constant 0 : i32
        %dma_start3A_144 = arith.constant 0 : i32
        %dma_start3A_145 = tpu.memref_slice %arg10[%dma_start3A_143, %dma_start3A_144] : memref<128x64xf32, #tpu.memory_space<vmem>> -> memref<128x64xf32, #tpu.memory_space<vmem>>
        %dma_start3A_146 = arith.constant 0 : i32
        %dma_start3A_147 = tpu.memref_slice %arg8[%add3A_99, %dma_start3A_146] : memref<160x128xi32, #tpu.memory_space<vmem>> -> memref<1x128xi32, #tpu.memory_space<vmem>>
        %dma_start3A_148 = tpu.memref_squeeze %dma_start3A_147 : memref<1x128xi32, #tpu.memory_space<vmem>> -> memref<128xi32, #tpu.memory_space<vmem>>
        %dma_start3A_149 = arith.constant 0 : i32
        %dma_start3A_150 = arith.constant 0 : i32
        %dma_start3A_151 = tpu.memref_slice %arg18[%dma_start3A_149, %dma_start3A_150] : memref<10112x64xf32, #tpu.memory_space<vmem_shared>> -> memref<10112x64xf32, #tpu.memory_space<vmem_shared>>
        tpu.enqueue_indirect_dma source(%dma_start3A_145 : memref<128x64xf32, #tpu.memory_space<vmem>>) target(%dma_start3A_151 : memref<10112x64xf32, #tpu.memory_space<vmem_shared>>) offsets(%dma_start3A_148 : memref<128xi32, #tpu.memory_space<vmem>>) semaphore(%run_scoped3A : memref<!tpu.dma_semaphore, #tpu.memory_space<semaphore_mem>>) {add = true}
        %dma_wait3A_152 = arith.constant 0 : i32
        %dma_wait3A_153 = arith.constant 0 : i32
        %dma_wait3A_154 = tpu.memref_slice %arg10[%dma_wait3A_152, %dma_wait3A_153] : memref<128x64xf32, #tpu.memory_space<vmem>> -> memref<128x64xf32, #tpu.memory_space<vmem>>
        %dma_wait3A_155 = arith.constant 0 : i32
        %dma_wait3A_156 = tpu.memref_slice %arg8[%add3A_99, %dma_wait3A_155] : memref<160x128xi32, #tpu.memory_space<vmem>> -> memref<1x128xi32, #tpu.memory_space<vmem>>
        %dma_wait3A_157 = tpu.memref_squeeze %dma_wait3A_156 : memref<1x128xi32, #tpu.memory_space<vmem>> -> memref<128xi32, #tpu.memory_space<vmem>>
        %dma_wait3A_158 = arith.constant 0 : i32
        %dma_wait3A_159 = arith.constant 0 : i32
        %dma_wait3A_160 = tpu.memref_slice %arg18[%dma_wait3A_158, %dma_wait3A_159] : memref<10112x64xf32, #tpu.memory_space<vmem_shared>> -> memref<10112x64xf32, #tpu.memory_space<vmem_shared>>
        tpu.wait_indirect_dma semaphore(%run_scoped3A : memref<!tpu.dma_semaphore, #tpu.memory_space<semaphore_mem>>) src(%dma_wait3A_154 : memref<128x64xf32, #tpu.memory_space<vmem>>) dst(%dma_wait3A_160 : memref<10112x64xf32, #tpu.memory_space<vmem_shared>>)
        tpu.yield
      }) : () -> ()
      %lt3A_100 = arith.constant 39 : i32
      %lt3A_101 = arith.cmpi slt, %add3A_69, %lt3A_100 : i32
      %convert_element_type3A_102 = arith.extui %lt3A_101 : i1 to i32
      %cond3A_103 = arith.constant 0 : i32
      %cond3A_104 = arith.cmpi ne, %convert_element_type3A_102, %cond3A_103 : i32
      scf.if %cond3A_104 {
        %add3A_143 = arith.constant 4 : i32
        %add3A_144 = arith.addi %add3A_89, %add3A_143 : i32
        %dma_start3A_145 = arith.constant 0 : i32
        %dma_start3A_146 = tpu.memref_slice %arg7[%add3A_144, %dma_start3A_145] : memref<160x128xi32, #tpu.memory_space<vmem>> -> memref<1x128xi32, #tpu.memory_space<vmem>>
        %dma_start3A_147 = tpu.memref_squeeze %dma_start3A_146 : memref<1x128xi32, #tpu.memory_space<vmem>> -> memref<128xi32, #tpu.memory_space<vmem>>
        %dma_start3A_148 = arith.constant 0 : i32
        %dma_start3A_149 = arith.constant 0 : i32
        %dma_start3A_150 = tpu.memref_slice %arg2[%dma_start3A_148, %dma_start3A_149] : memref<20000x64xf32, #tpu.memory_space<hbm>> -> memref<20000x64xf32, #tpu.memory_space<hbm>>
        tpu.enqueue_indirect_dma source(%dma_start3A_150 : memref<20000x64xf32, #tpu.memory_space<hbm>>) target(%arg10 : memref<128x64xf32, #tpu.memory_space<vmem>>) offsets(%dma_start3A_147 : memref<128xi32, #tpu.memory_space<vmem>>) semaphore(%arg14 : memref<!tpu.dma_semaphore, #tpu.memory_space<semaphore_mem>>)
      } else {
      }
      %mul3A_105 = arith.constant 4 : i32
      %mul3A_106 = arith.muli %add3A_69, %mul3A_105 : i32
      %add3A_107 = arith.constant 2 : i32
      %add3A_108 = arith.addi %mul3A_106, %add3A_107 : i32
      %dma_wait3A_109 = arith.constant 0 : i32
      %dma_wait3A_110 = tpu.memref_slice %arg7[%add3A_108, %dma_wait3A_109] : memref<160x128xi32, #tpu.memory_space<vmem>> -> memref<1x128xi32, #tpu.memory_space<vmem>>
      %dma_wait3A_111 = tpu.memref_squeeze %dma_wait3A_110 : memref<1x128xi32, #tpu.memory_space<vmem>> -> memref<128xi32, #tpu.memory_space<vmem>>
      %dma_wait3A_112 = arith.constant 0 : i32
      %dma_wait3A_113 = arith.constant 0 : i32
      %dma_wait3A_114 = tpu.memref_slice %arg2[%dma_wait3A_112, %dma_wait3A_113] : memref<20000x64xf32, #tpu.memory_space<hbm>> -> memref<20000x64xf32, #tpu.memory_space<hbm>>
      tpu.wait_indirect_dma semaphore(%arg15 : memref<!tpu.dma_semaphore, #tpu.memory_space<semaphore_mem>>) src(%dma_wait3A_114 : memref<20000x64xf32, #tpu.memory_space<hbm>>) dst(%arg11 : memref<128x64xf32, #tpu.memory_space<vmem>>)
      %mul3A_115 = arith.constant 1 : i32
      %mul3A_116 = arith.muli %add3A_108, %mul3A_115 : i32
      %add3A_117 = arith.constant 0 : i32
      %add3A_118 = arith.addi %mul3A_116, %add3A_117 : i32
      "tpu.region"() ({
        %run_scoped3A = tpu.sem_alloc : memref<!tpu.dma_semaphore, #tpu.memory_space<semaphore_mem>>
        %dma_start3A_143 = arith.constant 0 : i32
        %dma_start3A_144 = arith.constant 0 : i32
        %dma_start3A_145 = tpu.memref_slice %arg11[%dma_start3A_143, %dma_start3A_144] : memref<128x64xf32, #tpu.memory_space<vmem>> -> memref<128x64xf32, #tpu.memory_space<vmem>>
        %dma_start3A_146 = arith.constant 0 : i32
        %dma_start3A_147 = tpu.memref_slice %arg8[%add3A_118, %dma_start3A_146] : memref<160x128xi32, #tpu.memory_space<vmem>> -> memref<1x128xi32, #tpu.memory_space<vmem>>
        %dma_start3A_148 = tpu.memref_squeeze %dma_start3A_147 : memref<1x128xi32, #tpu.memory_space<vmem>> -> memref<128xi32, #tpu.memory_space<vmem>>
        %dma_start3A_149 = arith.constant 0 : i32
        %dma_start3A_150 = arith.constant 0 : i32
        %dma_start3A_151 = tpu.memref_slice %arg18[%dma_start3A_149, %dma_start3A_150] : memref<10112x64xf32, #tpu.memory_space<vmem_shared>> -> memref<10112x64xf32, #tpu.memory_space<vmem_shared>>
        tpu.enqueue_indirect_dma source(%dma_start3A_145 : memref<128x64xf32, #tpu.memory_space<vmem>>) target(%dma_start3A_151 : memref<10112x64xf32, #tpu.memory_space<vmem_shared>>) offsets(%dma_start3A_148 : memref<128xi32, #tpu.memory_space<vmem>>) semaphore(%run_scoped3A : memref<!tpu.dma_semaphore, #tpu.memory_space<semaphore_mem>>) {add = true}
        %dma_wait3A_152 = arith.constant 0 : i32
        %dma_wait3A_153 = arith.constant 0 : i32
        %dma_wait3A_154 = tpu.memref_slice %arg11[%dma_wait3A_152, %dma_wait3A_153] : memref<128x64xf32, #tpu.memory_space<vmem>> -> memref<128x64xf32, #tpu.memory_space<vmem>>
        %dma_wait3A_155 = arith.constant 0 : i32
        %dma_wait3A_156 = tpu.memref_slice %arg8[%add3A_118, %dma_wait3A_155] : memref<160x128xi32, #tpu.memory_space<vmem>> -> memref<1x128xi32, #tpu.memory_space<vmem>>
        %dma_wait3A_157 = tpu.memref_squeeze %dma_wait3A_156 : memref<1x128xi32, #tpu.memory_space<vmem>> -> memref<128xi32, #tpu.memory_space<vmem>>
        %dma_wait3A_158 = arith.constant 0 : i32
        %dma_wait3A_159 = arith.constant 0 : i32
        %dma_wait3A_160 = tpu.memref_slice %arg18[%dma_wait3A_158, %dma_wait3A_159] : memref<10112x64xf32, #tpu.memory_space<vmem_shared>> -> memref<10112x64xf32, #tpu.memory_space<vmem_shared>>
        tpu.wait_indirect_dma semaphore(%run_scoped3A : memref<!tpu.dma_semaphore, #tpu.memory_space<semaphore_mem>>) src(%dma_wait3A_154 : memref<128x64xf32, #tpu.memory_space<vmem>>) dst(%dma_wait3A_160 : memref<10112x64xf32, #tpu.memory_space<vmem_shared>>)
        tpu.yield
      }) : () -> ()
      %lt3A_119 = arith.constant 39 : i32
      %lt3A_120 = arith.cmpi slt, %add3A_69, %lt3A_119 : i32
      %convert_element_type3A_121 = arith.extui %lt3A_120 : i1 to i32
      %cond3A_122 = arith.constant 0 : i32
      %cond3A_123 = arith.cmpi ne, %convert_element_type3A_121, %cond3A_122 : i32
      scf.if %cond3A_123 {
        %add3A_143 = arith.constant 4 : i32
        %add3A_144 = arith.addi %add3A_108, %add3A_143 : i32
        %dma_start3A_145 = arith.constant 0 : i32
        %dma_start3A_146 = tpu.memref_slice %arg7[%add3A_144, %dma_start3A_145] : memref<160x128xi32, #tpu.memory_space<vmem>> -> memref<1x128xi32, #tpu.memory_space<vmem>>
        %dma_start3A_147 = tpu.memref_squeeze %dma_start3A_146 : memref<1x128xi32, #tpu.memory_space<vmem>> -> memref<128xi32, #tpu.memory_space<vmem>>
        %dma_start3A_148 = arith.constant 0 : i32
        %dma_start3A_149 = arith.constant 0 : i32
        %dma_start3A_150 = tpu.memref_slice %arg2[%dma_start3A_148, %dma_start3A_149] : memref<20000x64xf32, #tpu.memory_space<hbm>> -> memref<20000x64xf32, #tpu.memory_space<hbm>>
        tpu.enqueue_indirect_dma source(%dma_start3A_150 : memref<20000x64xf32, #tpu.memory_space<hbm>>) target(%arg11 : memref<128x64xf32, #tpu.memory_space<vmem>>) offsets(%dma_start3A_147 : memref<128xi32, #tpu.memory_space<vmem>>) semaphore(%arg15 : memref<!tpu.dma_semaphore, #tpu.memory_space<semaphore_mem>>)
      } else {
      }
      %mul3A_124 = arith.constant 4 : i32
      %mul3A_125 = arith.muli %add3A_69, %mul3A_124 : i32
      %add3A_126 = arith.constant 3 : i32
      %add3A_127 = arith.addi %mul3A_125, %add3A_126 : i32
      %dma_wait3A_128 = arith.constant 0 : i32
      %dma_wait3A_129 = tpu.memref_slice %arg7[%add3A_127, %dma_wait3A_128] : memref<160x128xi32, #tpu.memory_space<vmem>> -> memref<1x128xi32, #tpu.memory_space<vmem>>
      %dma_wait3A_130 = tpu.memref_squeeze %dma_wait3A_129 : memref<1x128xi32, #tpu.memory_space<vmem>> -> memref<128xi32, #tpu.memory_space<vmem>>
      %dma_wait3A_131 = arith.constant 0 : i32
      %dma_wait3A_132 = arith.constant 0 : i32
      %dma_wait3A_133 = tpu.memref_slice %arg2[%dma_wait3A_131, %dma_wait3A_132] : memref<20000x64xf32, #tpu.memory_space<hbm>> -> memref<20000x64xf32, #tpu.memory_space<hbm>>
      tpu.wait_indirect_dma semaphore(%arg16 : memref<!tpu.dma_semaphore, #tpu.memory_space<semaphore_mem>>) src(%dma_wait3A_133 : memref<20000x64xf32, #tpu.memory_space<hbm>>) dst(%arg12 : memref<128x64xf32, #tpu.memory_space<vmem>>)
      %mul3A_134 = arith.constant 1 : i32
      %mul3A_135 = arith.muli %add3A_127, %mul3A_134 : i32
      %add3A_136 = arith.constant 0 : i32
      %add3A_137 = arith.addi %mul3A_135, %add3A_136 : i32
      "tpu.region"() ({
        %run_scoped3A = tpu.sem_alloc : memref<!tpu.dma_semaphore, #tpu.memory_space<semaphore_mem>>
        %dma_start3A_143 = arith.constant 0 : i32
        %dma_start3A_144 = arith.constant 0 : i32
        %dma_start3A_145 = tpu.memref_slice %arg12[%dma_start3A_143, %dma_start3A_144] : memref<128x64xf32, #tpu.memory_space<vmem>> -> memref<128x64xf32, #tpu.memory_space<vmem>>
        %dma_start3A_146 = arith.constant 0 : i32
        %dma_start3A_147 = tpu.memref_slice %arg8[%add3A_137, %dma_start3A_146] : memref<160x128xi32, #tpu.memory_space<vmem>> -> memref<1x128xi32, #tpu.memory_space<vmem>>
        %dma_start3A_148 = tpu.memref_squeeze %dma_start3A_147 : memref<1x128xi32, #tpu.memory_space<vmem>> -> memref<128xi32, #tpu.memory_space<vmem>>
        %dma_start3A_149 = arith.constant 0 : i32
        %dma_start3A_150 = arith.constant 0 : i32
        %dma_start3A_151 = tpu.memref_slice %arg18[%dma_start3A_149, %dma_start3A_150] : memref<10112x64xf32, #tpu.memory_space<vmem_shared>> -> memref<10112x64xf32, #tpu.memory_space<vmem_shared>>
        tpu.enqueue_indirect_dma source(%dma_start3A_145 : memref<128x64xf32, #tpu.memory_space<vmem>>) target(%dma_start3A_151 : memref<10112x64xf32, #tpu.memory_space<vmem_shared>>) offsets(%dma_start3A_148 : memref<128xi32, #tpu.memory_space<vmem>>) semaphore(%run_scoped3A : memref<!tpu.dma_semaphore, #tpu.memory_space<semaphore_mem>>) {add = true}
        %dma_wait3A_152 = arith.constant 0 : i32
        %dma_wait3A_153 = arith.constant 0 : i32
        %dma_wait3A_154 = tpu.memref_slice %arg12[%dma_wait3A_152, %dma_wait3A_153] : memref<128x64xf32, #tpu.memory_space<vmem>> -> memref<128x64xf32, #tpu.memory_space<vmem>>
        %dma_wait3A_155 = arith.constant 0 : i32
        %dma_wait3A_156 = tpu.memref_slice %arg8[%add3A_137, %dma_wait3A_155] : memref<160x128xi32, #tpu.memory_space<vmem>> -> memref<1x128xi32, #tpu.memory_space<vmem>>
        %dma_wait3A_157 = tpu.memref_squeeze %dma_wait3A_156 : memref<1x128xi32, #tpu.memory_space<vmem>> -> memref<128xi32, #tpu.memory_space<vmem>>
        %dma_wait3A_158 = arith.constant 0 : i32
        %dma_wait3A_159 = arith.constant 0 : i32
        %dma_wait3A_160 = tpu.memref_slice %arg18[%dma_wait3A_158, %dma_wait3A_159] : memref<10112x64xf32, #tpu.memory_space<vmem_shared>> -> memref<10112x64xf32, #tpu.memory_space<vmem_shared>>
        tpu.wait_indirect_dma semaphore(%run_scoped3A : memref<!tpu.dma_semaphore, #tpu.memory_space<semaphore_mem>>) src(%dma_wait3A_154 : memref<128x64xf32, #tpu.memory_space<vmem>>) dst(%dma_wait3A_160 : memref<10112x64xf32, #tpu.memory_space<vmem_shared>>)
        tpu.yield
      }) : () -> ()
      %lt3A_138 = arith.constant 39 : i32
      %lt3A_139 = arith.cmpi slt, %add3A_69, %lt3A_138 : i32
      %convert_element_type3A_140 = arith.extui %lt3A_139 : i1 to i32
      %cond3A_141 = arith.constant 0 : i32
      %cond3A_142 = arith.cmpi ne, %convert_element_type3A_140, %cond3A_141 : i32
      scf.if %cond3A_142 {
        %add3A_143 = arith.constant 4 : i32
        %add3A_144 = arith.addi %add3A_127, %add3A_143 : i32
        %dma_start3A_145 = arith.constant 0 : i32
        %dma_start3A_146 = tpu.memref_slice %arg7[%add3A_144, %dma_start3A_145] : memref<160x128xi32, #tpu.memory_space<vmem>> -> memref<1x128xi32, #tpu.memory_space<vmem>>
        %dma_start3A_147 = tpu.memref_squeeze %dma_start3A_146 : memref<1x128xi32, #tpu.memory_space<vmem>> -> memref<128xi32, #tpu.memory_space<vmem>>
        %dma_start3A_148 = arith.constant 0 : i32
        %dma_start3A_149 = arith.constant 0 : i32
        %dma_start3A_150 = tpu.memref_slice %arg2[%dma_start3A_148, %dma_start3A_149] : memref<20000x64xf32, #tpu.memory_space<hbm>> -> memref<20000x64xf32, #tpu.memory_space<hbm>>
        tpu.enqueue_indirect_dma source(%dma_start3A_150 : memref<20000x64xf32, #tpu.memory_space<hbm>>) target(%arg12 : memref<128x64xf32, #tpu.memory_space<vmem>>) offsets(%dma_start3A_147 : memref<128xi32, #tpu.memory_space<vmem>>) semaphore(%arg16 : memref<!tpu.dma_semaphore, #tpu.memory_space<semaphore_mem>>)
      } else {
      }
    }
    %scan3A_60 = arith.constant 40 : i32
    %barrier3A_61 = arith.constant 0 : index
    tpu.barrier barrier_id(%barrier3A_61)
    %mul3A_62 = arith.constant 632 : i32
    %mul3A_63 = arith.muli %arg1, %mul3A_62 : i32
    %mul3A_64 = arith.constant 632 : i32
    %mul3A_65 = arith.muli %arg1, %mul3A_64 : i32
    "tpu.region"() ({
      %run_scoped3A = tpu.sem_alloc : memref<!tpu.dma_semaphore, #tpu.memory_space<semaphore_mem>>
      %dma_start3A_66 = arith.constant 0 : i32
      %dma_start3A_67 = tpu.memref_slice %arg6[%arg0, %mul3A_65, %dma_start3A_66] : memref<2x10112x64xf32, #tpu.memory_space<hbm>> -> memref<1x632x64xf32, #tpu.memory_space<hbm>>
      %dma_start3A_68 = tpu.memref_squeeze %dma_start3A_67 : memref<1x632x64xf32, #tpu.memory_space<hbm>> -> memref<632x64xf32, #tpu.memory_space<hbm>>
      %dma_start3A_69 = arith.constant 0 : i32
      %dma_start3A_70 = tpu.memref_slice %arg18[%mul3A_63, %dma_start3A_69] : memref<10112x64xf32, #tpu.memory_space<vmem_shared>> -> memref<632x64xf32, #tpu.memory_space<vmem_shared>>
      tpu.enqueue_dma source(%dma_start3A_70 : memref<632x64xf32, #tpu.memory_space<vmem_shared>>) target(%dma_start3A_68 : memref<632x64xf32, #tpu.memory_space<hbm>>) target_semaphore(%run_scoped3A : memref<!tpu.dma_semaphore, #tpu.memory_space<semaphore_mem>>)
      %dma_wait3A_71 = arith.constant 0 : i32
      %dma_wait3A_72 = tpu.memref_slice %arg6[%arg0, %mul3A_65, %dma_wait3A_71] : memref<2x10112x64xf32, #tpu.memory_space<hbm>> -> memref<1x632x64xf32, #tpu.memory_space<hbm>>
      %dma_wait3A_73 = tpu.memref_squeeze %dma_wait3A_72 : memref<1x632x64xf32, #tpu.memory_space<hbm>> -> memref<632x64xf32, #tpu.memory_space<hbm>>
      %dma_wait3A_74 = arith.constant 0 : i32
      %dma_wait3A_75 = tpu.memref_slice %arg18[%mul3A_63, %dma_wait3A_74] : memref<10112x64xf32, #tpu.memory_space<vmem_shared>> -> memref<632x64xf32, #tpu.memory_space<vmem_shared>>
      tpu.wait_dma2 semaphore(%run_scoped3A : memref<!tpu.dma_semaphore, #tpu.memory_space<semaphore_mem>>) src(%dma_wait3A_75 : memref<632x64xf32, #tpu.memory_space<vmem_shared>>) dst(%dma_wait3A_73 : memref<632x64xf32, #tpu.memory_space<hbm>>)
      tpu.yield
    }) : () -> ()
    return
  }
}

module attributes {stable_mosaic.version = 14 : i64} {
  func.func @_mm_body(%arg0: i32, %arg1: memref<1000x128xf32, #tpu.memory_space<vmem>>, %arg2: memref<128x128xf32, #tpu.memory_space<vmem>>, %arg3: memref<1000x128xf32, #tpu.memory_space<vmem>>) attributes {dimension_semantics = [#tpu.dimension_semantics<arbitrary>], iteration_bounds = array<i64: 10>, scalar_prefetch = 0 : i64, scratch_operands = 0 : i64, tpu.core_type = #tpu.core_type<tc>, window_params = [{transform_indices = @transform_0, window_bounds = array<i64: 1000, 128>}, {pipeline_mode = #tpu.pipeline_mode<synchronous>, transform_indices = @transform_1, window_bounds = array<i64: 128, 128>}, {transform_indices = @transform_2, window_bounds = array<i64: 1000, 128>}]} {
    %get3A = arith.constant 0 : index
    %get3A_0 = arith.constant 0 : index
    %get3A_1 = vector.load %arg1[%get3A, %get3A_0] : memref<1000x128xf32, #tpu.memory_space<vmem>>, vector<1000x128xf32>
    %get3A_2 = arith.constant 0 : index
    %get3A_3 = arith.constant 0 : index
    %get3A_4 = vector.load %arg2[%get3A_2, %get3A_3] : memref<128x128xf32, #tpu.memory_space<vmem>>, vector<128x128xf32>
    %dot_general3A = arith.constant dense<0.000000e+00> : vector<1000x128xf32>
    %dot_general3A_5 = tpu.matmul %get3A_1, %get3A_4, %dot_general3A {dimension_numbers = #tpu.dot_dimension_numbers<[1], [0], [0], [1], [0, 0, 1, 1], [], []>, precision = #tpu.contract_precision<fp32>, transpose_lhs_hint = false} : vector<1000x128xf32>, vector<128x128xf32>, vector<1000x128xf32> -> vector<1000x128xf32>
    %swap3A = arith.constant 0 : index
    %swap3A_6 = arith.constant 0 : index
    %swap3A_7 = vector.load %arg3[%swap3A, %swap3A_6] : memref<1000x128xf32, #tpu.memory_space<vmem>>, vector<1000x128xf32>
    tpu.vector_store %arg3[%swap3A, %swap3A_6], %dot_general3A_5 {strides = array<i32>} : memref<1000x128xf32, #tpu.memory_space<vmem>>, vector<1000x128xf32>,
    return
  }
  func.func @transform_0(%arg0: i32) -> (i32, i32) {
    %c0_i32 = arith.constant 0 : i32
    %c0_i32_0 = arith.constant 0 : i32
    return %arg0, %c0_i32 : i32, i32
  }
  func.func @transform_1(%arg0: i32) -> (i32, i32) {
    %c0_i32 = arith.constant 0 : i32
    %c0_i32_0 = arith.constant 0 : i32
    %c0_i32_1 = arith.constant 0 : i32
    return %c0_i32, %c0_i32_0 : i32, i32
  }
  func.func @transform_2(%arg0: i32) -> (i32, i32) {
    %c0_i32 = arith.constant 0 : i32
    %c0_i32_0 = arith.constant 0 : i32
    return %arg0, %c0_i32 : i32, i32
  }
}

module attributes {stable_mosaic.version = 14 : i64} {
  func.func @_prep1_body(%arg0: i32, %arg1: memref<1000x128xf32, #tpu.memory_space<vmem>>, %arg2: memref<1000x16xf32, #tpu.memory_space<vmem>>, %arg3: memref<1000x16xf32, #tpu.memory_space<vmem>>, %arg4: memref<1000x128xf32, #tpu.memory_space<vmem>>, %arg5: memref<1000x16xf32, #tpu.memory_space<vmem>>) attributes {dimension_semantics = [#tpu.dimension_semantics<arbitrary>], iteration_bounds = array<i64: 10>, scalar_prefetch = 0 : i64, scratch_operands = 0 : i64, tpu.core_type = #tpu.core_type<tc>, window_params = [{transform_indices = @transform_0, window_bounds = array<i64: 1000, 128>}, {transform_indices = @transform_1, window_bounds = array<i64: 1000, 16>}, {transform_indices = @transform_2, window_bounds = array<i64: 1000, 16>}, {transform_indices = @transform_3, window_bounds = array<i64: 1000, 128>}, {transform_indices = @transform_4, window_bounds = array<i64: 1000, 16>}]} {
    %get3A = arith.constant 0 : index
    %get3A_0 = arith.constant 0 : index
    %get3A_1 = vector.load %arg2[%get3A, %get3A_0] : memref<1000x16xf32, #tpu.memory_space<vmem>>, vector<1000x16xf32>
    %get3A_2 = arith.constant 0 : index
    %get3A_3 = arith.constant 0 : index
    %get3A_4 = vector.load %arg3[%get3A_2, %get3A_3] : memref<1000x16xf32, #tpu.memory_space<vmem>>, vector<1000x16xf32>
    %add3A = arith.addf %get3A_1, %get3A_4 : vector<1000x16xf32>
    %slice3A = vector.extract_strided_slice %add3A {offsets = [0, 0], sizes = [1000, 1], strides = [1, 1]} : vector<1000x16xf32> to vector<1000x1xf32>
    %add3A_5 = arith.constant 1.000000e+00 : f32
    %add3A_6 = vector.broadcast %add3A_5 : f32 to vector<1000x1xf32>
    %add3A_7 = arith.addf %slice3A, %add3A_6 : vector<1000x1xf32>
    %rsqrt3A = math.rsqrt %add3A_7 : vector<1000x1xf32>
    %get3A_8 = arith.constant 0 : index
    %get3A_9 = arith.constant 0 : index
    %get3A_10 = vector.load %arg1[%get3A_8, %get3A_9] : memref<1000x128xf32, #tpu.memory_space<vmem>>, vector<1000x128xf32>
    %mul3A = vector.broadcast %rsqrt3A : vector<1000x1xf32> to vector<1000x128xf32>
    %mul3A_11 = arith.mulf %get3A_10, %mul3A : vector<1000x128xf32>
    %swap3A = arith.constant 0 : index
    %swap3A_12 = arith.constant 0 : index
    %swap3A_13 = vector.load %arg4[%swap3A, %swap3A_12] : memref<1000x128xf32, #tpu.memory_space<vmem>>, vector<1000x128xf32>
    tpu.vector_store %arg4[%swap3A, %swap3A_12], %mul3A_11 {strides = array<i32>} : memref<1000x128xf32, #tpu.memory_space<vmem>>, vector<1000x128xf32>,
    %broadcast_in_dim3A = vector.shape_cast %rsqrt3A : vector<1000x1xf32> to vector<1000x1xf32>
    %broadcast_in_dim3A_14 = vector.broadcast %broadcast_in_dim3A : vector<1000x1xf32> to vector<1000x16xf32>
    %swap3A_15 = arith.constant 0 : index
    %swap3A_16 = arith.constant 0 : index
    %swap3A_17 = vector.load %arg5[%swap3A_15, %swap3A_16] : memref<1000x16xf32, #tpu.memory_space<vmem>>, vector<1000x16xf32>
    tpu.vector_store %arg5[%swap3A_15, %swap3A_16], %broadcast_in_dim3A_14 {strides = array<i32>} : memref<1000x16xf32, #tpu.memory_space<vmem>>, vector<1000x16xf32>,
    return
  }
  func.func @transform_0(%arg0: i32) -> (i32, i32) {
    %c0_i32 = arith.constant 0 : i32
    %c0_i32_0 = arith.constant 0 : i32
    return %arg0, %c0_i32 : i32, i32
  }
  func.func @transform_1(%arg0: i32) -> (i32, i32) {
    %c0_i32 = arith.constant 0 : i32
    %c0_i32_0 = arith.constant 0 : i32
    return %arg0, %c0_i32 : i32, i32
  }
  func.func @transform_2(%arg0: i32) -> (i32, i32) {
    %c0_i32 = arith.constant 0 : i32
    %c0_i32_0 = arith.constant 0 : i32
    return %arg0, %c0_i32 : i32, i32
  }
  func.func @transform_3(%arg0: i32) -> (i32, i32) {
    %c0_i32 = arith.constant 0 : i32
    %c0_i32_0 = arith.constant 0 : i32
    return %arg0, %c0_i32 : i32, i32
  }
  func.func @transform_4(%arg0: i32) -> (i32, i32) {
    %c0_i32 = arith.constant 0 : i32
    %c0_i32_0 = arith.constant 0 : i32
    return %arg0, %c0_i32 : i32, i32
  }
}

module attributes {stable_mosaic.version = 14 : i64} {
  func.func @_mid_body(%arg0: i32, %arg1: memref<1000x64xf32, #tpu.memory_space<vmem>>, %arg2: memref<1000x64xf32, #tpu.memory_space<vmem>>, %arg3: memref<1000x128xf32, #tpu.memory_space<vmem>>, %arg4: memref<1000x16xf32, #tpu.memory_space<vmem>>, %arg5: memref<1x128xf32, #tpu.memory_space<vmem>>, %arg6: memref<128x128xf32, #tpu.memory_space<vmem>>, %arg7: memref<1000x128xf32, #tpu.memory_space<vmem>>) attributes {dimension_semantics = [#tpu.dimension_semantics<arbitrary>], iteration_bounds = array<i64: 10>, scalar_prefetch = 0 : i64, scratch_operands = 0 : i64, tpu.core_type = #tpu.core_type<tc>, window_params = [{transform_indices = @transform_0, window_bounds = array<i64: 1000, 64>}, {transform_indices = @transform_1, window_bounds = array<i64: 1000, 64>}, {transform_indices = @transform_2, window_bounds = array<i64: 1000, 128>}, {transform_indices = @transform_3, window_bounds = array<i64: 1000, 16>}, {pipeline_mode = #tpu.pipeline_mode<synchronous>, transform_indices = @transform_4, window_bounds = array<i64: 1, 128>}, {pipeline_mode = #tpu.pipeline_mode<synchronous>, transform_indices = @transform_5, window_bounds = array<i64: 128, 128>}, {transform_indices = @transform_6, window_bounds = array<i64: 1000, 128>}]} {
    %get3A = arith.constant 0 : index
    %get3A_0 = arith.constant 0 : index
    %get3A_1 = vector.load %arg4[%get3A, %get3A_0] : memref<1000x16xf32, #tpu.memory_space<vmem>>, vector<1000x16xf32>
    %slice3A = vector.extract_strided_slice %get3A_1 {offsets = [0, 0], sizes = [1000, 1], strides = [1, 1]} : vector<1000x16xf32> to vector<1000x1xf32>
    %get3A_2 = arith.constant 0 : index
    %get3A_3 = arith.constant 0 : index
    %get3A_4 = vector.load %arg1[%get3A_2, %get3A_3] : memref<1000x64xf32, #tpu.memory_space<vmem>>, vector<1000x64xf32>
    %get3A_5 = arith.constant 0 : index
    %get3A_6 = arith.constant 0 : index
    %get3A_7 = vector.load %arg2[%get3A_5, %get3A_6] : memref<1000x64xf32, #tpu.memory_space<vmem>>, vector<1000x64xf32>
    %concatenate3A = tpu.concatenate %get3A_4, %get3A_7 in 1 : vector<1000x64xf32>, vector<1000x64xf32> -> vector<1000x128xf32>
    %get3A_8 = arith.constant 0 : index
    %get3A_9 = arith.constant 0 : index
    %get3A_10 = vector.load %arg3[%get3A_8, %get3A_9] : memref<1000x128xf32, #tpu.memory_space<vmem>>, vector<1000x128xf32>
    %add3A = arith.addf %concatenate3A, %get3A_10 : vector<1000x128xf32>
    %mul3A = vector.broadcast %slice3A : vector<1000x1xf32> to vector<1000x128xf32>
    %mul3A_11 = arith.mulf %add3A, %mul3A : vector<1000x128xf32>
    %get3A_12 = arith.constant 0 : index
    %get3A_13 = arith.constant 0 : index
    %get3A_14 = vector.load %arg5[%get3A_12, %get3A_13] : memref<1x128xf32, #tpu.memory_space<vmem>>, vector<1x128xf32>
    %add3A_15 = vector.broadcast %get3A_14 : vector<1x128xf32> to vector<1000x128xf32>
    %add3A_16 = arith.addf %mul3A_11, %add3A_15 : vector<1000x128xf32>
    %max3A = arith.constant 0.000000e+00 : f32
    %max3A_17 = vector.broadcast %max3A : f32 to vector<1000x128xf32>
    %max3A_18 = arith.maximumf %add3A_16, %max3A_17 : vector<1000x128xf32>
    %get3A_19 = arith.constant 0 : index
    %get3A_20 = arith.constant 0 : index
    %get3A_21 = vector.load %arg6[%get3A_19, %get3A_20] : memref<128x128xf32, #tpu.memory_space<vmem>>, vector<128x128xf32>
    %dot_general3A = arith.constant dense<0.000000e+00> : vector<1000x128xf32>
    %dot_general3A_22 = tpu.matmul %max3A_18, %get3A_21, %dot_general3A {dimension_numbers = #tpu.dot_dimension_numbers<[1], [0], [0], [1], [0, 0, 1, 1], [], []>, precision = #tpu.contract_precision<fp32>, transpose_lhs_hint = false} : vector<1000x128xf32>, vector<128x128xf32>, vector<1000x128xf32> -> vector<1000x128xf32>
    %mul3A_23 = vector.broadcast %slice3A : vector<1000x1xf32> to vector<1000x128xf32>
    %mul3A_24 = arith.mulf %dot_general3A_22, %mul3A_23 : vector<1000x128xf32>
    %swap3A = arith.constant 0 : index
    %swap3A_25 = arith.constant 0 : index
    %swap3A_26 = vector.load %arg7[%swap3A, %swap3A_25] : memref<1000x128xf32, #tpu.memory_space<vmem>>, vector<1000x128xf32>
    tpu.vector_store %arg7[%swap3A, %swap3A_25], %mul3A_24 {strides = array<i32>} : memref<1000x128xf32, #tpu.memory_space<vmem>>, vector<1000x128xf32>,
    return
  }
  func.func @transform_0(%arg0: i32) -> (i32, i32) {
    %c0_i32 = arith.constant 0 : i32
    %c0_i32_0 = arith.constant 0 : i32
    return %arg0, %c0_i32 : i32, i32
  }
  func.func @transform_1(%arg0: i32) -> (i32, i32) {
    %c0_i32 = arith.constant 0 : i32
    %c0_i32_0 = arith.constant 0 : i32
    return %arg0, %c0_i32 : i32, i32
  }
  func.func @transform_2(%arg0: i32) -> (i32, i32) {
    %c0_i32 = arith.constant 0 : i32
    %c0_i32_0 = arith.constant 0 : i32
    return %arg0, %c0_i32 : i32, i32
  }
  func.func @transform_3(%arg0: i32) -> (i32, i32) {
    %c0_i32 = arith.constant 0 : i32
    %c0_i32_0 = arith.constant 0 : i32
    return %arg0, %c0_i32 : i32, i32
  }
  func.func @transform_4(%arg0: i32) -> (i32, i32) {
    %c0_i32 = arith.constant 0 : i32
    %c0_i32_0 = arith.constant 0 : i32
    %c0_i32_1 = arith.constant 0 : i32
    return %c0_i32, %c0_i32_0 : i32, i32
  }
  func.func @transform_5(%arg0: i32) -> (i32, i32) {
    %c0_i32 = arith.constant 0 : i32
    %c0_i32_0 = arith.constant 0 : i32
    %c0_i32_1 = arith.constant 0 : i32
    return %c0_i32, %c0_i32_0 : i32, i32
  }
  func.func @transform_6(%arg0: i32) -> (i32, i32) {
    %c0_i32 = arith.constant 0 : i32
    %c0_i32_0 = arith.constant 0 : i32
    return %arg0, %c0_i32 : i32, i32
  }
}

module attributes {stable_mosaic.version = 14 : i64} {
  func.func @_fin_body(%arg0: i32, %arg1: memref<1000x64xf32, #tpu.memory_space<vmem>>, %arg2: memref<1000x64xf32, #tpu.memory_space<vmem>>, %arg3: memref<1000x128xf32, #tpu.memory_space<vmem>>, %arg4: memref<1000x16xf32, #tpu.memory_space<vmem>>, %arg5: memref<1x128xf32, #tpu.memory_space<vmem>>, %arg6: memref<1000x128xf32, #tpu.memory_space<vmem>>) attributes {dimension_semantics = [#tpu.dimension_semantics<arbitrary>], iteration_bounds = array<i64: 10>, scalar_prefetch = 0 : i64, scratch_operands = 0 : i64, tpu.core_type = #tpu.core_type<tc>, window_params = [{transform_indices = @transform_0, window_bounds = array<i64: 1000, 64>}, {transform_indices = @transform_1, window_bounds = array<i64: 1000, 64>}, {transform_indices = @transform_2, window_bounds = array<i64: 1000, 128>}, {transform_indices = @transform_3, window_bounds = array<i64: 1000, 16>}, {pipeline_mode = #tpu.pipeline_mode<synchronous>, transform_indices = @transform_4, window_bounds = array<i64: 1, 128>}, {transform_indices = @transform_5, window_bounds = array<i64: 1000, 128>}]} {
    %get3A = arith.constant 0 : index
    %get3A_0 = arith.constant 0 : index
    %get3A_1 = vector.load %arg4[%get3A, %get3A_0] : memref<1000x16xf32, #tpu.memory_space<vmem>>, vector<1000x16xf32>
    %slice3A = vector.extract_strided_slice %get3A_1 {offsets = [0, 0], sizes = [1000, 1], strides = [1, 1]} : vector<1000x16xf32> to vector<1000x1xf32>
    %get3A_2 = arith.constant 0 : index
    %get3A_3 = arith.constant 0 : index
    %get3A_4 = vector.load %arg1[%get3A_2, %get3A_3] : memref<1000x64xf32, #tpu.memory_space<vmem>>, vector<1000x64xf32>
    %get3A_5 = arith.constant 0 : index
    %get3A_6 = arith.constant 0 : index
    %get3A_7 = vector.load %arg2[%get3A_5, %get3A_6] : memref<1000x64xf32, #tpu.memory_space<vmem>>, vector<1000x64xf32>
    %concatenate3A = tpu.concatenate %get3A_4, %get3A_7 in 1 : vector<1000x64xf32>, vector<1000x64xf32> -> vector<1000x128xf32>
    %get3A_8 = arith.constant 0 : index
    %get3A_9 = arith.constant 0 : index
    %get3A_10 = vector.load %arg3[%get3A_8, %get3A_9] : memref<1000x128xf32, #tpu.memory_space<vmem>>, vector<1000x128xf32>
    %add3A = arith.addf %concatenate3A, %get3A_10 : vector<1000x128xf32>
    %mul3A = vector.broadcast %slice3A : vector<1000x1xf32> to vector<1000x128xf32>
    %mul3A_11 = arith.mulf %add3A, %mul3A : vector<1000x128xf32>
    %get3A_12 = arith.constant 0 : index
    %get3A_13 = arith.constant 0 : index
    %get3A_14 = vector.load %arg5[%get3A_12, %get3A_13] : memref<1x128xf32, #tpu.memory_space<vmem>>, vector<1x128xf32>
    %add3A_15 = vector.broadcast %get3A_14 : vector<1x128xf32> to vector<1000x128xf32>
    %add3A_16 = arith.addf %mul3A_11, %add3A_15 : vector<1000x128xf32>
    %swap3A = arith.constant 0 : index
    %swap3A_17 = arith.constant 0 : index
    %swap3A_18 = vector.load %arg6[%swap3A, %swap3A_17] : memref<1000x128xf32, #tpu.memory_space<vmem>>, vector<1000x128xf32>
    tpu.vector_store %arg6[%swap3A, %swap3A_17], %add3A_16 {strides = array<i32>} : memref<1000x128xf32, #tpu.memory_space<vmem>>, vector<1000x128xf32>,
    return
  }
  func.func @transform_0(%arg0: i32) -> (i32, i32) {
    %c0_i32 = arith.constant 0 : i32
    %c0_i32_0 = arith.constant 0 : i32
    return %arg0, %c0_i32 : i32, i32
  }
  func.func @transform_1(%arg0: i32) -> (i32, i32) {
    %c0_i32 = arith.constant 0 : i32
    %c0_i32_0 = arith.constant 0 : i32
    return %arg0, %c0_i32 : i32, i32
  }
  func.func @transform_2(%arg0: i32) -> (i32, i32) {
    %c0_i32 = arith.constant 0 : i32
    %c0_i32_0 = arith.constant 0 : i32
    return %arg0, %c0_i32 : i32, i32
  }
  func.func @transform_3(%arg0: i32) -> (i32, i32) {
    %c0_i32 = arith.constant 0 : i32
    %c0_i32_0 = arith.constant 0 : i32
    return %arg0, %c0_i32 : i32, i32
  }
  func.func @transform_4(%arg0: i32) -> (i32, i32) {
    %c0_i32 = arith.constant 0 : i32
    %c0_i32_0 = arith.constant 0 : i32
    %c0_i32_1 = arith.constant 0 : i32
    return %c0_i32, %c0_i32_0 : i32, i32
  }
  func.func @transform_5(%arg0: i32) -> (i32, i32) {
    %c0_i32 = arith.constant 0 : i32
    %c0_i32_0 = arith.constant 0 : i32
    return %arg0, %c0_i32 : i32, i32
  }
}

</mosaic_0001>

<sc_bundles>
// kernel: kernel.12.cloned.1.call-start
scs
__scs_entry_jumppad:
0x0: {  	(pc) =	sbr.rel $0x88, $3  }
0x1: {  	(tag) =	ssettag $0x0;
	lr =	simm.s32 $0x1  }
0x2: {  	[smem:$0x3F9B] =	sst lr;
	_ =	strace $0xD0000000  }
0x3: {  	_ = 	snop  }
0x4: {  	_ = 	snop  }
0x5: {  	_ = 	snop  }
0x6: {  	_ = 	snop  }
0x7: {  	_ = 	snop  }
__scs_overlays_trampoline_lowered:
0x8: {  	[smem:$0x3FAA] =	sst s0  }
0x9: {  	[smem:$0x3FAB] =	sst s1  }
0xa: {  	[smem:$0x3FAC] =	sst s2  }
0xb: {  	[smem:$0x3FAD] =	sst s3  }
0xc: {  	[smem:$0x3FAE] =	sst s4  }
0xd: {  	[smem:$0x3FAF] =	sst s5  }
0xe: {  	[smem:$0x3FB0] =	sst s6  }
0xf: {  	[smem:$0x3FB1] =	sst s7  }
0x10: {  	[smem:$0x3FB2] =	sst s8  }
0x11: {  	[smem:$0x3FB3] =	sst s9;
	s0 =	simm.s32 @!p0 $0x0  }
0x12: {  	s1 =	sld [smem:$0x3F99];
	s0 =	simm.s32 @p0 $0x1  }
0x13: {  	[smem:$0x3FB4] =	sst s0;
	s0 =	simm.s32 @!p1 $0x0  }
0x14: {  	s2 =	sld [smem:$0x3F98];
	s0 =	simm.s32 @p1 $0x1  }
0x15: {  	[smem:$0x3FB5] =	sst s0;
	s0 =	simm.s32 @!p2 $0x0  }
0x16: {  	s3 =	sld [smem:$0x3FDB];
	s0 =	simm.s32 @p2 $0x1  }
0x17: {  	s4 =	simm.s32 $0x1BF5;
	[smem:$0x3FB7] =	sst s0  }
0x18: {  	s0 =	sld [smem:$0x3F9A];
	_ =	swait.ge [sflag:s4], $0x0  }
0x19: {  	s7 =	sld [smem:$0x3F9B]  }
0x1a: {  	s8 =	sadd.s32 $0xFFFFE003, lr  }
0x1b: {  	s9 =	sadd.s32 $0xFFFFFEF7, lr;
	s5 =	simm.s32 $0xFFFFFFFF;
	p2 =	slt.u32 s8, $0xFFFFF086  }
0x1c: {  	p1 =	slt.u32 s9, $0xF7A;
	s5 =	simm.s32 @!p2 $0x0  }
0x1d: {  	s5 =	simm.s32 @p1 $0x1;
	p0 =	seq.s32 s7, s2  }
0x1e: {  	s7 =	smul.u32 @!p0 $0xF7A, s2;
	p2 =	seq.s32 @!p0 s5, $0x0  }
0x1f: {  	s9 =	smul.u32 $0xF7A, s1;
	s8 =	simm.s32 @!p0 $0x1BF5;
	p2 =	por !p2, p0  }
0x20: {  	[sflag:s8] =	ssyncset.s32 @!p0 $0xFFFFF086;
	s6 =	sadd.s32 @!p0 s3, s7;
	s7 =	simm.s32 @!p0 $0x108  }
0x21: {  	s3 =	sadd.s32 s3, s9;
	s6 =	sadd.s32 @!p0 $0x88, s6;
	s7 =	simm.s32 @p2 $0x1082  }
0x22: {  	[simem:s7], [sflag:s8] =	dma.local @!p0 [hbm:s6], $0xF7A  }
0x23: {  	s9 =	sor.u32 $0xD0000000, s2;
	s6 =	simm.s32 $0x108;
	_ =	swait.ge @!p0 [sflag:s8], $0x0  }
0x24: {  	s3 =	sadd.s32 $0x88, s3;
	s6 =	simm.s32 @!p1 $0x1082;
	[sflag:s4] =	ssyncset.s32 $0xFFFFF086  }
0x25: {  	[simem:s6], [sflag:s4] =	dma.local [hbm:s3], $0xF7A  }
0x26: {  	[smem:$0x3F9B] =	sst s1;
	(tag) =	ssettag s2;
	_ =	strace s9  }
0x27: {  	s1 =	sld [smem:$0x3FAB]  }
0x28: {  	s2 =	sld [smem:$0x3FAC]  }
0x29: {  	s4 =	sld [smem:$0x3FAE]  }
0x2a: {  	p0 =	seq.s32 s5, $0x0;
	s5 =	sld [smem:$0x3FAF]  }
0x2b: {  	s6 =	sld [smem:$0x3FB0]  }
0x2c: {  	s7 =	sld [smem:$0x3FB1]  }
0x2d: {  	s3 =	simm.s32 $0x108;
	s8 =	sld [smem:$0x3FB2]  }
0x2e: {  	s3 =	simm.s32 @!p0 $0x1082;
	s9 =	sld [smem:$0x3FB3]  }
0x2f: {  	lr =	sadd.s32 s0, s3;
	s0 =	sld [smem:$0x3FAA]  }
0x30: {  	s3 =	sld [smem:$0x3FAD]  }
0x31: {  	[smem:$0x3FB6] =	sst s10  }
0x32: {  	s10 =	sld [smem:$0x3FB4];
	_ =	sdelay $0x3  }
0x33: {  	p0 =	seq.s32 s10, $0x1;
	s10 =	sld [smem:$0x3FB6];
	_ =	sdelay $0x3  }
0x34: {  	[smem:$0x3FB6] =	sst s10  }
0x35: {  	s10 =	sld [smem:$0x3FB5];
	_ =	sdelay $0x3  }
0x36: {  	p1 =	seq.s32 s10, $0x1;
	s10 =	sld [smem:$0x3FB6];
	_ =	sdelay $0x3  }
0x37: {  	[smem:$0x3FB6] =	sst s10  }
0x38: {  	s10 =	sld [smem:$0x3FB7]  }
0x39: {  	_ = 	snop;
	(pc) =	sbr.ind lr, $3  }
0x3a: {  	_ = 	snop  }
0x3b: {  	_ = 	snop  }
0x3c: {  	p2 =	seq.s32 s10, $0x1;
	s10 =	sld [smem:$0x3FB6]  }
0x3d: {  	_ =	shalt  }
0x3e: {  	_ =	shalt  }
0x3f: {  	_ =	shalt  }
0x40: {  	_ =	shalt  }
0x41: {  	_ =	shalt  }
0x42: {  	_ =	shalt  }
0x43: {  	_ =	shalt  }
0x44: {  	_ =	shalt  }
0x45: {  	_ =	shalt  }
0x46: {  	_ =	shalt  }
0x47: {  	_ =	shalt  }
0x48: {  	_ =	shalt  }
0x49: {  	_ =	shalt  }
0x4a: {  	_ =	shalt  }
0x4b: {  	_ =	shalt  }
0x4c: {  	_ =	shalt  }
0x4d: {  	_ =	shalt  }
0x4e: {  	_ =	shalt  }
0x4f: {  	_ =	shalt  }
0x50: {  	_ =	shalt  }
0x51: {  	_ =	shalt  }
0x52: {  	_ =	shalt  }
0x53: {  	_ =	shalt  }
0x54: {  	_ =	shalt  }
0x55: {  	_ =	shalt  }
0x56: {  	_ =	shalt  }
0x57: {  	_ =	shalt  }
0x58: {  	_ =	shalt  }
0x59: {  	_ =	shalt  }
0x5a: {  	_ =	shalt  }
0x5b: {  	_ =	shalt  }
0x5c: {  	_ =	shalt  }
0x5d: {  	_ =	shalt  }
0x5e: {  	_ =	shalt  }
0x5f: {  	_ =	shalt  }
0x60: {  	_ =	shalt  }
0x61: {  	_ =	shalt  }
0x62: {  	_ =	shalt  }
0x63: {  	_ =	shalt  }
0x64: {  	_ =	shalt  }
0x65: {  	_ =	shalt  }
0x66: {  	_ =	shalt  }
0x67: {  	_ =	shalt  }
0x68: {  	_ =	shalt  }
0x69: {  	_ =	shalt  }
0x6a: {  	_ =	shalt  }
0x6b: {  	_ =	shalt  }
0x6c: {  	_ =	shalt  }
0x6d: {  	_ =	shalt  }
0x6e: {  	_ =	shalt  }
0x6f: {  	_ =	shalt  }
0x70: {  	_ =	shalt  }
0x71: {  	_ =	shalt  }
0x72: {  	_ =	shalt  }
0x73: {  	_ =	shalt  }
0x74: {  	_ =	shalt  }
0x75: {  	_ =	shalt  }
0x76: {  	_ =	shalt  }
0x77: {  	_ =	shalt  }
0x78: {  	_ =	shalt  }
0x79: {  	_ =	shalt  }
0x7a: {  	_ =	shalt  }
0x7b: {  	_ =	shalt  }
0x7c: {  	_ =	shalt  }
0x7d: {  	_ =	shalt  }
0x7e: {  	_ =	shalt  }
0x7f: {  	_ =	shalt  }
0x80: {  	_ =	shalt  }
0x81: {  	_ =	shalt  }
0x82: {  	_ =	shalt  }
0x83: {  	_ =	shalt  }
0x84: {  	_ =	shalt  }
0x85: {  	_ =	shalt  }
0x86: {  	_ =	shalt  }
0x87: {  	_ =	shalt  }
.Lfunc_end0:
.L_simem_size_0:
called_computation.1_lowered:
.L_overlay_start_0:
0x88: {  	s2 =	sld [smem:$0x3FD9]  }
0x89: {  	s3 =	sld [smem:$0x3FFE];
	_ =	sdelay $0x1  }
0x8a: {  	s1 =	srdreg.scid  }
0x8b: {  	s0 =	sand.u32 $0x1, s1  }
0x8c: {  	s17 =	sshll.u32 s0, $0xA;
	s2 =	sadd.s32 s3, s2  }
0x8d: {  	s2 =	sadd.s32 s2, s17  }
0x8e: {  	[smem:$0x3FC2] =	sst s2  }
0x8f: {  	_ = 	snop  }
0x90: {  	s2 =	sld [smem:$0x3FD0];
	(tm) =	ssettm $0x1  }
0x91: {  	s18 =	sld [smem:$0x3FFB];
	_ =	sdelay $0x3  }
0x92: {  	_ =	strace s18  }
0x93: {  	s3 =	sld [smem:$0x3FFC];
	_ =	sdelay $0x3  }
0x94: {  	_ =	strace s3  }
0x95: {  	s3 =	sld [smem:$0x3FFD];
	_ =	sdelay $0x3  }
0x96: {  	_ =	strace s3  }
0x97: {  	_ =	strace $0x8FFFFFFF  }
0x98: {  	s19 =	sld [smem:$0x3FDB];
	_ =	sdelay $0x1  }
0x99: {  	s4 =	simm.s32 $_scs_section_size  }
0x9a: {  	s5 =	simm.s32 $_size__tile_overlayer_lowered;
	s6 =	simm.s32 $_tile_overlayer_lowered  }
0x9b: {  	s22 =	simm.s32 $0x1BFF;
	s21 =	sshll.u32 s6, $0x1;
	s3 =	sadd.s32 s4, s19  }
0x9c: {  	s7 =	simm.s32 $0x0;
	s20 =	sshll.u32 s5, $0x1;
	s5 =	sadd.s32 s21, s3  }
0x9d: {  	[timem:s7], [sflag:s22] =	dma.local [hbm:s5], s20  }
0x9e: {  	_ =	swait.ge [sflag:s22], s20  }
0x9f: {  	s4 =	ssub.s32 $0x0, s20;
	[sflag:s22] =	ssyncset.done $0x0  }
0xa0: {  	[sflag:s22] =	ssyncadd.s32 s4;
	_ =	sdelay $0x1  }
0xa1: {  	s23 =	simm.s32 $0x1B8B  }
0xa2: {  	_ =	swait.ge [sflag:s23], $0x1  }
0xa3: {  	[sflag:s23] =	ssyncset.done $0x0  }
0xa4: {  	s25 =	simm.s32 $0x1B8E;
	s24 =	sld [smem:$0x3FFE];
	[sflag:s23] =	ssyncadd.s32 $0xFFFFFFFF  }
0xa5: {  	s26 =	simm.s32 $execute0_lowered;
	[smem:$0x3FD2] =	sst s25  }
0xa6: {  	s5 =	sshll.u32 s26, $0x1;
	_ =	strace $0x80000049;
	[dreg:$0x1] =	wrdreg $0xFFFFFFFF  }
0xa7: {  	s28 =	simm.s32 $_size_execute0_lowered;
	s3 =	sadd.s32 s3, s5;
	[dreg:$0x0] =	wrdreg $0x0  }
0xa8: {  	s5 =	sshll.u32 s28, $0x1;
	[dreg:$0x2] =	wrdreg s3  }
0xa9: {  	[dreg:$0x3] =	wrdreg s5  }
0xaa: {  	[dreg:$0x4] =	wrdreg $0xC0  }
0xab: {  	_ =	task [dreg:s7], $0x5FFFF  }
0xac: {  	[dreg:$0x1] =	wrdreg $0xFFFFFFFF  }
0xad: {  	[dreg:$0x0] =	wrdreg $0x60  }
0xae: {  	[dreg:$0x2] =	wrdreg s2  }
0xaf: {  	[dreg:$0x3] =	wrdreg s24  }
0xb0: {  	[dreg:$0x4] =	wrdreg $0x120000  }
0xb1: {  	[dreg:$0x5] =	wrdreg $0x9  }
0xb2: {  	_ =	task.clear_ibuf [dreg:s7], $0x6FFFF;
	_ =	strace $0x90000049  }
0xb3: {  	s29 =	simm.s32 $0x9;
	_ =	strace $0x8000004B  }
0xb4: {  	_ =	swait.ge [sflag:s29], $0x1  }
0xb5: {  	[sflag:s29] =	ssyncadd.s32 $0xFFFFFFFF  }
0xb6: {  	_ =	strace $0x9000004B  }
0xb7: {  	_ =	sfence  }
0xb8: {  	s30 =	sld [smem:$0x0];
	_ =	sdelay $0x2  }
0xb9: {  	s31 =	sshll.u32 s1, $0xD;
	s1 =	sshrl.u32 s1, $0x2  }
0xba: {  	s3 =	sand.u32 $0x4000, s31;
	s1 =	sadd.s32 s1, s30  }
0xbb: {  	s0 =	sor.u32 s3, s0;
	s1 =	sshll.u32 s1, $0x11  }
0xbc: {  	s0 =	sor.u32 s1, s0  }
0xbd: {  	s0 =	sadd.s32 $0x8F2B, s0  }
0xbe: {  	[sflag:s0] =	ssyncadd.remote.s32 $0x1  }
0xbf: {  	_ =	sfence.sel $0xFFFF  }
0xc0: {  	[dreg:$0x0] =	wrdreg $0xFFFFFFFF;
	(pc) =	sbr.abs _section_cstart, $3  }
0xc1: {  	[dreg:$0x1] =	wrdreg $0xFFFFFFFF  }
0xc2: {  	_ =	task.clear_ibuf [dreg:s7], $0x2FFFF;
	_ =	strace $0x9FFFFFFF  }
0xc3: {  	(tm) =	ssettm $0x7FFFFFFF  }
tec
execute0_lowered:
.L_overlay_start_1:
0x0: {  	(tag) =	ssettag $0x1  }
0x1: {  	s1 =	rddreg [dreg:$0x0]  }
0x2: {  	s0 =	srdreg.scid;
	s2 =	rddreg [dreg:$0x1]  }
0x3: {  	s11 =	stileid.u32;
	s3 =	rddreg [dreg:$0x2]  }
0x4: {  	s4 =	simm.s32 $0x0;
	s13 =	simm.s32 $0x6;
	s14 =	simm.s32 $0x5  }
0x5: {  	s15 =	simm.s32 $0x80;
	s16 =	simm.s32 $0xA000;
	s17 =	simm.s32 $0xC000  }
0x6: {  	s18 =	simm.s32 $0x100;
	s19 =	simm.s32 $0xE000;
	s20 =	simm.s32 $0x180  }
0x7: {  	s21 =	simm.s32 $0x10000;
	s22 =	simm.s32 $0x1;
	s28 =	simm.s32 $0x9E80  }
0x8: {  	s29 =	simm.s32 $0x9F00;
	s30 =	simm.s32 $0x9F80;
	s5 =	smul.u32 $0x5000, s11  }
0x9: {  	s31 =	simm.s32 $0x0;
	s0 =	sand.u32 $0x1, s0;
	s7 =	smul.u32 $0x9E00, s11  }
0xa: {  	[smem:$0x7FF] =	sst s4;
	s26 =	sshll.u32 s11, $0x6;
	s6 =	smul.u32 $0x50000, s0  }
0xb: {  	s8 =	smul.u32 $0x9E000, s0;
	_ =	strace $0x8000004A;
	s0 =	ssub.s32 $0x2, s0  }
0xc: {  	s23 =	sshrl.u32 s7, $0x3;
	s25 =	sshrl.u32 s0, $0x1;
	s12 =	sadd.s32 s7, s3  }
0xd: {  	s6 =	sadd.s32 s5, s6;
	s5 =	sshrl.u32 s5, $0x3;
	s8 =	sadd.s32 s7, s8  }
0xe: {  	s10 =	sadd.s32 s23, s2;
	s0 =	ssub.s32 s0, s25;
	s12 =	sshrl.u32 s12, $0x3  }
0xf: {  	s23 =	simm.s32 $0x2;
	s25 =	simm.s32 $0x4;
	s6 =	sshrl.u32 s6, $0x3  }
0x10: {  	s9 =	sadd.s32 s5, s2;
	s24 =	sshrl.u32 s8, $0x3;
	s7 =	sadd.s32 $0x26400, s10  }
0x11: {  	s8 =	sor.u32 $0x1C06, s26;
	s10 =	smax.u32 s0, $0x1;
	s26 =	simm.s32 $0x9E00  }
0x12: {  	s6 =	sadd.s32 s6, s2;
	s2 =	sadd.s32 s24, s2;
	s24 =	simm.s32 $0x3  }
0x13: {  	s5 =	sadd.s32 $0x12400, s6;
	s6 =	sadd.s32 $0x3200, s9;
	s9 =	sadd.s32 $0x3A000, s2  }
.LBB2_1:
0x14: {  	[tilespmem:s4], [sflag:$0x5] =	stream.linear.gather [hbm4b:s5+s4], $0x5000, $0x38;
	[tilespmem:$0x1BE00] =	vst v63  }
0x15: {  	s0 =	simm.s32 $0x5000  }
0x16: {  	[tilespmem:s0], [sflag:$0x5] =	stream.linear.gather [hbm4b:s6+s4], $0x5000, $0x38;
	[tilespmem:$0x1BE00] =	vst v63  }
0x17: {  	[spmem:s12], [sflag:s8] =	dma.local [hbm:s7], $0x13C0  }
0x18: {  	_ =	swait.ge [sflag:s13], $0x13C0  }
0x19: {  	[sflag:s13] =	ssyncset.done $0x0  }
0x1a: {  	[sflag:s13] =	ssyncadd.s32 $0xFFFFEC40  }
0x1b: {  	_ =	swait.ge [sflag:s14], $0x5000  }
0x1c: {  	[sflag:s14] =	ssyncset.done $0x0  }
0x1d: {  	[sflag:s14] =	ssyncadd.s32 $0xFFFFB000  }
0x1e: {  	_ =	swait.ge [sflag:s14], $0x5000  }
0x1f: {  	[sflag:s14] =	ssyncset.done $0x0  }
0x20: {  	[sflag:s14] =	ssyncadd.s32 $0xFFFFB000  }
0x21: {  	[bflag:$0x0] =	sbarrier.arrive $0xFFFF  }
0x22: {  	[tilespmem:s16], [sflag:$0x1] =	stream.indirect.gather [hbm4b:s1+s15], $0x40, s4, s15, $0xb8;
	[tilespmem:$0x1BE00] =	vst v63  }
0x23: {  	_ = 	snop  }
0x24: {  	[tilespmem:s17], [sflag:$0x2] =	stream.indirect.gather [hbm4b:s1+s15], $0x40, s15, s15, $0xb8;
	[tilespmem:$0x1BE00] =	vst v63  }
0x25: {  	_ = 	snop  }
0x26: {  	[tilespmem:s19], [sflag:$0x3] =	stream.indirect.gather [hbm4b:s1+s15], $0x40, s18, s15, $0xb8;
	[tilespmem:$0x1BE00] =	vst v63  }
0x27: {  	_ = 	snop  }
0x28: {  	[tilespmem:s21], [sflag:$0x4] =	stream.indirect.gather [hbm4b:s1+s15], $0x40, s20, s15, $0xb8;
	[tilespmem:$0x1BE00] =	vst v63  }
0x29: {  	_ =	swait.ge [sflag:s22], $0x2000  }
0x2a: {  	[sflag:s22] =	ssyncset.done $0x0  }
0x2b: {  	s11 =	simm.s32 $0x5000;
	[sflag:s22] =	ssyncadd.s32 $0xFFFFE000  }
0x2c: {  	[spmem:s3] =	stream.indirect.scatter.add.f32 [tilespmem:s16], [sflag:$0x6], $0x40, s11, s15, $0xb8;
	[tilespmem:$0x1BE00] =	vst v63  }
0x2d: {  	_ =	swait.ge [sflag:s13], $0x2000  }
0x2e: {  	[sflag:s13] =	ssyncset.done $0x0  }
0x2f: {  	s2 =	simm.s32 $0x200;
	[sflag:s13] =	ssyncadd.s32 $0xFFFFE000  }
0x30: {  	[tilespmem:s16], [sflag:$0x1] =	stream.indirect.gather [hbm4b:s1+s15], $0x40, s2, s15, $0xb8;
	[tilespmem:$0x1BE00] =	vst v63  }
0x31: {  	_ =	swait.ge [sflag:s23], $0x2000  }
0x32: {  	[sflag:s23] =	ssyncset.done $0x0  }
0x33: {  	s11 =	simm.s32 $0x5080;
	[sflag:s23] =	ssyncadd.s32 $0xFFFFE000  }
0x34: {  	[spmem:s3] =	stream.indirect.scatter.add.f32 [tilespmem:s17], [sflag:$0x6], $0x40, s11, s15, $0xb8;
	[tilespmem:$0x1BE00] =	vst v63  }
0x35: {  	_ =	swait.ge [sflag:s13], $0x2000  }
0x36: {  	[sflag:s13] =	ssyncset.done $0x0  }
0x37: {  	s2 =	simm.s32 $0x280;
	[sflag:s13] =	ssyncadd.s32 $0xFFFFE000  }
0x38: {  	[tilespmem:s17], [sflag:$0x2] =	stream.indirect.gather [hbm4b:s1+s15], $0x40, s2, s15, $0xb8;
	[tilespmem:$0x1BE00] =	vst v63  }
0x39: {  	_ =	swait.ge [sflag:s24], $0x2000  }
0x3a: {  	[sflag:s24] =	ssyncset.done $0x0  }
0x3b: {  	s11 =	simm.s32 $0x5100;
	[sflag:s24] =	ssyncadd.s32 $0xFFFFE000  }
0x3c: {  	[spmem:s3] =	stream.indirect.scatter.add.f32 [tilespmem:s19], [sflag:$0x6], $0x40, s11, s15, $0xb8;
	[tilespmem:$0x1BE00] =	vst v63  }
0x3d: {  	_ =	swait.ge [sflag:s13], $0x2000  }
0x3e: {  	[sflag:s13] =	ssyncset.done $0x0  }
0x3f: {  	s2 =	simm.s32 $0x300;
	[sflag:s13] =	ssyncadd.s32 $0xFFFFE000  }
0x40: {  	[tilespmem:s19], [sflag:$0x3] =	stream.indirect.gather [hbm4b:s1+s15], $0x40, s2, s15, $0xb8;
	[tilespmem:$0x1BE00] =	vst v63  }
0x41: {  	_ =	swait.ge [sflag:s25], $0x2000  }
0x42: {  	[sflag:s25] =	ssyncset.done $0x0  }
0x43: {  	s11 =	simm.s32 $0x5180;
	[sflag:s25] =	ssyncadd.s32 $0xFFFFE000  }
0x44: {  	[spmem:s3] =	stream.indirect.scatter.add.f32 [tilespmem:s21], [sflag:$0x6], $0x40, s11, s15, $0xb8;
	[tilespmem:$0x1BE00] =	vst v63  }
0x45: {  	_ =	swait.ge [sflag:s13], $0x2000  }
0x46: {  	[sflag:s13] =	ssyncset.done $0x0  }
0x47: {  	s0 =	simm.s32 $0x380;
	s2 =	simm.s32 $0x800;
	[sflag:s13] =	ssyncadd.s32 $0xFFFFE000  }
.LBB2_2:
0x48: {  	[tilespmem:s21], [sflag:$0x4] =	stream.indirect.gather [hbm4b:s1+s15], $0x40, s0, s15, $0xb8;
	[tilespmem:$0x1BE00] =	vst v63  }
0x49: {  	s0 =	smov.u32 s2  }
0x4a: {  	p0 =	sne.s32 s2, $0x13000;
	s2 =	sadd.s32 $0x800, s2;
	_ =	swait.ge [sflag:s22], $0x2000  }
0x4b: {  	s0 =	sshra.s32 s0, $0x2;
	[sflag:s22] =	ssyncset.done $0x0  }
0x4c: {  	s11 =	sadd.s32 $0x5000, s0;
	[sflag:s22] =	ssyncadd.s32 $0xFFFFE000  }
0x4d: {  	[spmem:s3] =	stream.indirect.scatter.add.f32 [tilespmem:s16], [sflag:$0x6], $0x40, s11, s15, $0xb8;
	[tilespmem:$0x1BE00] =	vst v63  }
0x4e: {  	_ =	swait.ge [sflag:s13], $0x2000  }
0x4f: {  	[sflag:s13] =	ssyncset.done $0x0  }
0x50: {  	s11 =	sadd.s32 $0x200, s0;
	[sflag:s13] =	ssyncadd.s32 $0xFFFFE000  }
0x51: {  	[tilespmem:s16], [sflag:$0x1] =	stream.indirect.gather [hbm4b:s1+s15], $0x40, s11, s15, $0xb8;
	[tilespmem:$0x1BE00] =	vst v63  }
0x52: {  	_ =	swait.ge [sflag:s23], $0x2000  }
0x53: {  	[sflag:s23] =	ssyncset.done $0x0  }
0x54: {  	s11 =	sadd.s32 $0x5080, s0;
	[sflag:s23] =	ssyncadd.s32 $0xFFFFE000  }
0x55: {  	[spmem:s3] =	stream.indirect.scatter.add.f32 [tilespmem:s17], [sflag:$0x6], $0x40, s11, s15, $0xb8;
	[tilespmem:$0x1BE00] =	vst v63  }
0x56: {  	_ =	swait.ge [sflag:s13], $0x2000  }
0x57: {  	[sflag:s13] =	ssyncset.done $0x0  }
0x58: {  	s11 =	sadd.s32 $0x280, s0;
	[sflag:s13] =	ssyncadd.s32 $0xFFFFE000  }
0x59: {  	[tilespmem:s17], [sflag:$0x2] =	stream.indirect.gather [hbm4b:s1+s15], $0x40, s11, s15, $0xb8;
	[tilespmem:$0x1BE00] =	vst v63  }
0x5a: {  	_ =	swait.ge [sflag:s24], $0x2000  }
0x5b: {  	[sflag:s24] =	ssyncset.done $0x0  }
0x5c: {  	s11 =	sadd.s32 $0x5100, s0;
	[sflag:s24] =	ssyncadd.s32 $0xFFFFE000  }
0x5d: {  	[spmem:s3] =	stream.indirect.scatter.add.f32 [tilespmem:s19], [sflag:$0x6], $0x40, s11, s15, $0xb8;
	[tilespmem:$0x1BE00] =	vst v63  }
0x5e: {  	_ =	swait.ge [sflag:s13], $0x2000  }
0x5f: {  	[sflag:s13] =	ssyncset.done $0x0  }
0x60: {  	s11 =	sadd.s32 $0x300, s0;
	[sflag:s13] =	ssyncadd.s32 $0xFFFFE000  }
0x61: {  	[tilespmem:s19], [sflag:$0x3] =	stream.indirect.gather [hbm4b:s1+s15], $0x40, s11, s15, $0xb8;
	[tilespmem:$0x1BE00] =	vst v63  }
0x62: {  	_ =	swait.ge [sflag:s25], $0x2000  }
0x63: {  	[sflag:s25] =	ssyncset.done $0x0  }
.Ltmp0:
0x64: {  	s11 =	sadd.s32 $0x5180, s0;
	[sflag:s25] =	ssyncadd.s32 $0xFFFFE000;
	(pc) =	sbr.rel @p0 .LBB2_2-.Ltmp0, $4  }
0x65: {  	[spmem:s3] =	stream.indirect.scatter.add.f32 [tilespmem:s21], [sflag:$0x6], $0x40, s11, s15, $0xb8;
	[tilespmem:$0x1BE00] =	vst v63  }
0x66: {  	_ =	swait.ge [sflag:s13], $0x2000  }
0x67: {  	[sflag:s13] =	ssyncset.done $0x0  }
0x68: {  	s0 =	sadd.s32 $0x380, s0;
	[sflag:s13] =	ssyncadd.s32 $0xFFFFE000  }
0x69: {  	[tilespmem:s21], [sflag:$0x4] =	stream.indirect.gather [hbm4b:s1+s15], $0x40, s0, s15, $0xb8;
	[tilespmem:$0x1BE00] =	vst v63  }
0x6a: {  	_ =	swait.ge [sflag:s22], $0x2000  }
0x6b: {  	[sflag:s22] =	ssyncset.done $0x0  }
0x6c: {  	[sflag:s22] =	ssyncadd.s32 $0xFFFFE000  }
0x6d: {  	[spmem:s3] =	stream.indirect.scatter.add.f32 [tilespmem:s16], [sflag:$0x6], $0x40, s26, s15, $0xb8;
	[tilespmem:$0x1BE00] =	vst v63  }
0x6e: {  	_ =	swait.ge [sflag:s13], $0x2000  }
0x6f: {  	[sflag:s13] =	ssyncset.done $0x0  }
0x70: {  	[sflag:s13] =	ssyncadd.s32 $0xFFFFE000  }
0x71: {  	_ =	swait.ge [sflag:s23], $0x2000  }
0x72: {  	[sflag:s23] =	ssyncset.done $0x0  }
0x73: {  	[sflag:s23] =	ssyncadd.s32 $0xFFFFE000  }
0x74: {  	[spmem:s3] =	stream.indirect.scatter.add.f32 [tilespmem:s17], [sflag:$0x6], $0x40, s28, s15, $0xb8;
	[tilespmem:$0x1BE00] =	vst v63  }
0x75: {  	_ =	swait.ge [sflag:s13], $0x2000  }
0x76: {  	[sflag:s13] =	ssyncset.done $0x0  }
0x77: {  	[sflag:s13] =	ssyncadd.s32 $0xFFFFE000  }
0x78: {  	_ =	swait.ge [sflag:s24], $0x2000  }
0x79: {  	[sflag:s24] =	ssyncset.done $0x0  }
0x7a: {  	[sflag:s24] =	ssyncadd.s32 $0xFFFFE000  }
0x7b: {  	[spmem:s3] =	stream.indirect.scatter.add.f32 [tilespmem:s19], [sflag:$0x6], $0x40, s29, s15, $0xb8;
	[tilespmem:$0x1BE00] =	vst v63  }
0x7c: {  	_ =	swait.ge [sflag:s13], $0x2000  }
0x7d: {  	[sflag:s13] =	ssyncset.done $0x0  }
0x7e: {  	[sflag:s13] =	ssyncadd.s32 $0xFFFFE000  }
0x7f: {  	_ =	swait.ge [sflag:s25], $0x2000  }
0x80: {  	[sflag:s25] =	ssyncset.done $0x0  }
0x81: {  	[sflag:s25] =	ssyncadd.s32 $0xFFFFE000  }
0x82: {  	[spmem:s3] =	stream.indirect.scatter.add.f32 [tilespmem:s21], [sflag:$0x6], $0x40, s30, s15, $0xb8;
	[tilespmem:$0x1BE00] =	vst v63  }
0x83: {  	_ =	swait.ge [sflag:s13], $0x2000  }
0x84: {  	s31 =	sadd.s32 $0x1, s31;
	[sflag:s13] =	ssyncset.done $0x0  }
0x85: {  	p0 =	sne.s32 s31, s10;
	[sflag:s13] =	ssyncadd.s32 $0xFFFFE000  }
.Ltmp1:
0x86: {  	[bflag:$0x0] =	sbarrier.arrive $0xFFFF;
	(pc) =	sbr.rel @p0 .LBB2_1-.Ltmp1, $4  }
0x87: {  	[hbm:s9], [sflag:s8] =	dma.local [spmem:s12], $0x13C0  }
0x88: {  	_ =	swait.ge [sflag:s13], $0x13C0  }
0x89: {  	[sflag:s13] =	ssyncset.done $0x0  }
0x8a: {  	[sflag:s13] =	ssyncadd.s32 $0xFFFFEC40  }
0x8b: {  	_ =	sfence.sel $0x180000  }
0x8c: {  	[bflag:$0x0] =	sbarrier.arrive $0xFFFF  }
0x8d: {  	_ =	strace $0x9000004A  }
0x8e: {  	s0 =	stileid.u32;
	[bflag:$0x2] =	sbarrier.arrive $0xFFFF  }
0x8f: {  	p0 =	sne.s32 s0, $0x0;
	s0 =	rddreg [dreg:$0x3]  }
0x90: {  	s0 =	sadd.s32 @!p0 $0x100000, s0  }
0x91: {  	[sflag:s0] =	ssyncadd.tile.s32 @!p0 $0x1;
	_ =	shalt  }
.Lfunc_end2:
_tile_overlayer_lowered:
.L_overlay_start_2:
0x92: {  	(tag) =	ssettag $0x2  }
0x93: {  	s0 =	rddreg [dreg:$0x0];
	s2 =	stileid.u32  }
0x94: {  	s1 =	rddreg [dreg:$0x1];
	p0 =	sne.s32 s2, $0x0  }
0x95: {  	s3 =	rddreg [dreg:$0x2];
	[bflag:$0x3] =	sbarrier.arrive $0xFFFF;
	s2 =	simm.s32 @!p0 $0x1C06  }
0x96: {  	[timem:s3], [sflag:s2] =	dma.local @!p0 [hbm:s0], s1  }
0x97: {  	s0 =	simm.s32 @!p0 $0x6  }
0x98: {  	_ =	swait.ge @!p0 [sflag:s0], s1  }
0x99: {  	s1 =	ssub.s32 @!p0 $0x0, s1;
	[sflag:s0] =	ssyncset.done @!p0 $0x0  }
0x9a: {  	[sflag:s0] =	ssyncadd.s32 @!p0 s1  }
0x9b: {  	[bflag:$0x3] =	sbarrier.arrive $0xFFFF  }
0x9c: {  	_ =	shalt  }

// kernel: kernel.15.cloned.1.call-start
scs
__scs_entry_jumppad:
0x0: {  	(pc) =	sbr.rel $0x88, $3  }
0x1: {  	(tag) =	ssettag $0x0;
	lr =	simm.s32 $0x1  }
0x2: {  	[smem:$0x3F9B] =	sst lr;
	_ =	strace $0xD0000000  }
0x3: {  	_ = 	snop  }
0x4: {  	_ = 	snop  }
0x5: {  	_ = 	snop  }
0x6: {  	_ = 	snop  }
0x7: {  	_ = 	snop  }
__scs_overlays_trampoline_lowered:
0x8: {  	[smem:$0x3FAA] =	sst s0  }
0x9: {  	[smem:$0x3FAB] =	sst s1  }
0xa: {  	[smem:$0x3FAC] =	sst s2  }
0xb: {  	[smem:$0x3FAD] =	sst s3  }
0xc: {  	[smem:$0x3FAE] =	sst s4  }
0xd: {  	[smem:$0x3FAF] =	sst s5  }
0xe: {  	[smem:$0x3FB0] =	sst s6  }
0xf: {  	[smem:$0x3FB1] =	sst s7  }
0x10: {  	[smem:$0x3FB2] =	sst s8  }
0x11: {  	[smem:$0x3FB3] =	sst s9;
	s0 =	simm.s32 @!p0 $0x0  }
0x12: {  	s1 =	sld [smem:$0x3F99];
	s0 =	simm.s32 @p0 $0x1  }
0x13: {  	[smem:$0x3FB4] =	sst s0;
	s0 =	simm.s32 @!p1 $0x0  }
0x14: {  	s2 =	sld [smem:$0x3F98];
	s0 =	simm.s32 @p1 $0x1  }
0x15: {  	[smem:$0x3FB5] =	sst s0;
	s0 =	simm.s32 @!p2 $0x0  }
0x16: {  	s3 =	sld [smem:$0x3FDB];
	s0 =	simm.s32 @p2 $0x1  }
0x17: {  	s4 =	simm.s32 $0x1BF5;
	[smem:$0x3FB7] =	sst s0  }
0x18: {  	s0 =	sld [smem:$0x3F9A];
	_ =	swait.ge [sflag:s4], $0x0  }
0x19: {  	s7 =	sld [smem:$0x3F9B]  }
0x1a: {  	s8 =	sadd.s32 $0xFFFFE003, lr  }
0x1b: {  	s9 =	sadd.s32 $0xFFFFFEF7, lr;
	s5 =	simm.s32 $0xFFFFFFFF;
	p2 =	slt.u32 s8, $0xFFFFF086  }
0x1c: {  	p1 =	slt.u32 s9, $0xF7A;
	s5 =	simm.s32 @!p2 $0x0  }
0x1d: {  	s5 =	simm.s32 @p1 $0x1;
	p0 =	seq.s32 s7, s2  }
0x1e: {  	s7 =	smul.u32 @!p0 $0xF7A, s2;
	p2 =	seq.s32 @!p0 s5, $0x0  }
0x1f: {  	s9 =	smul.u32 $0xF7A, s1;
	s8 =	simm.s32 @!p0 $0x1BF5;
	p2 =	por !p2, p0  }
0x20: {  	[sflag:s8] =	ssyncset.s32 @!p0 $0xFFFFF086;
	s6 =	sadd.s32 @!p0 s3, s7;
	s7 =	simm.s32 @!p0 $0x108  }
0x21: {  	s3 =	sadd.s32 s3, s9;
	s6 =	sadd.s32 @!p0 $0x88, s6;
	s7 =	simm.s32 @p2 $0x1082  }
0x22: {  	[simem:s7], [sflag:s8] =	dma.local @!p0 [hbm:s6], $0xF7A  }
0x23: {  	s9 =	sor.u32 $0xD0000000, s2;
	s6 =	simm.s32 $0x108;
	_ =	swait.ge @!p0 [sflag:s8], $0x0  }
0x24: {  	s3 =	sadd.s32 $0x88, s3;
	s6 =	simm.s32 @!p1 $0x1082;
	[sflag:s4] =	ssyncset.s32 $0xFFFFF086  }
0x25: {  	[simem:s6], [sflag:s4] =	dma.local [hbm:s3], $0xF7A  }
0x26: {  	[smem:$0x3F9B] =	sst s1;
	(tag) =	ssettag s2;
	_ =	strace s9  }
0x27: {  	s1 =	sld [smem:$0x3FAB]  }
0x28: {  	s2 =	sld [smem:$0x3FAC]  }
0x29: {  	s4 =	sld [smem:$0x3FAE]  }
0x2a: {  	p0 =	seq.s32 s5, $0x0;
	s5 =	sld [smem:$0x3FAF]  }
0x2b: {  	s6 =	sld [smem:$0x3FB0]  }
0x2c: {  	s7 =	sld [smem:$0x3FB1]  }
0x2d: {  	s3 =	simm.s32 $0x108;
	s8 =	sld [smem:$0x3FB2]  }
0x2e: {  	s3 =	simm.s32 @!p0 $0x1082;
	s9 =	sld [smem:$0x3FB3]  }
0x2f: {  	lr =	sadd.s32 s0, s3;
	s0 =	sld [smem:$0x3FAA]  }
0x30: {  	s3 =	sld [smem:$0x3FAD]  }
0x31: {  	[smem:$0x3FB6] =	sst s10  }
0x32: {  	s10 =	sld [smem:$0x3FB4];
	_ =	sdelay $0x3  }
0x33: {  	p0 =	seq.s32 s10, $0x1;
	s10 =	sld [smem:$0x3FB6];
	_ =	sdelay $0x3  }
0x34: {  	[smem:$0x3FB6] =	sst s10  }
0x35: {  	s10 =	sld [smem:$0x3FB5];
	_ =	sdelay $0x3  }
0x36: {  	p1 =	seq.s32 s10, $0x1;
	s10 =	sld [smem:$0x3FB6];
	_ =	sdelay $0x3  }
0x37: {  	[smem:$0x3FB6] =	sst s10  }
0x38: {  	s10 =	sld [smem:$0x3FB7]  }
0x39: {  	_ = 	snop;
	(pc) =	sbr.ind lr, $3  }
0x3a: {  	_ = 	snop  }
0x3b: {  	_ = 	snop  }
0x3c: {  	p2 =	seq.s32 s10, $0x1;
	s10 =	sld [smem:$0x3FB6]  }
0x3d: {  	_ =	shalt  }
0x3e: {  	_ =	shalt  }
0x3f: {  	_ =	shalt  }
0x40: {  	_ =	shalt  }
0x41: {  	_ =	shalt  }
0x42: {  	_ =	shalt  }
0x43: {  	_ =	shalt  }
0x44: {  	_ =	shalt  }
0x45: {  	_ =	shalt  }
0x46: {  	_ =	shalt  }
0x47: {  	_ =	shalt  }
0x48: {  	_ =	shalt  }
0x49: {  	_ =	shalt  }
0x4a: {  	_ =	shalt  }
0x4b: {  	_ =	shalt  }
0x4c: {  	_ =	shalt  }
0x4d: {  	_ =	shalt  }
0x4e: {  	_ =	shalt  }
0x4f: {  	_ =	shalt  }
0x50: {  	_ =	shalt  }
0x51: {  	_ =	shalt  }
0x52: {  	_ =	shalt  }
0x53: {  	_ =	shalt  }
0x54: {  	_ =	shalt  }
0x55: {  	_ =	shalt  }
0x56: {  	_ =	shalt  }
0x57: {  	_ =	shalt  }
0x58: {  	_ =	shalt  }
0x59: {  	_ =	shalt  }
0x5a: {  	_ =	shalt  }
0x5b: {  	_ =	shalt  }
0x5c: {  	_ =	shalt  }
0x5d: {  	_ =	shalt  }
0x5e: {  	_ =	shalt  }
0x5f: {  	_ =	shalt  }
0x60: {  	_ =	shalt  }
0x61: {  	_ =	shalt  }
0x62: {  	_ =	shalt  }
0x63: {  	_ =	shalt  }
0x64: {  	_ =	shalt  }
0x65: {  	_ =	shalt  }
0x66: {  	_ =	shalt  }
0x67: {  	_ =	shalt  }
0x68: {  	_ =	shalt  }
0x69: {  	_ =	shalt  }
0x6a: {  	_ =	shalt  }
0x6b: {  	_ =	shalt  }
0x6c: {  	_ =	shalt  }
0x6d: {  	_ =	shalt  }
0x6e: {  	_ =	shalt  }
0x6f: {  	_ =	shalt  }
0x70: {  	_ =	shalt  }
0x71: {  	_ =	shalt  }
0x72: {  	_ =	shalt  }
0x73: {  	_ =	shalt  }
0x74: {  	_ =	shalt  }
0x75: {  	_ =	shalt  }
0x76: {  	_ =	shalt  }
0x77: {  	_ =	shalt  }
0x78: {  	_ =	shalt  }
0x79: {  	_ =	shalt  }
0x7a: {  	_ =	shalt  }
0x7b: {  	_ =	shalt  }
0x7c: {  	_ =	shalt  }
0x7d: {  	_ =	shalt  }
0x7e: {  	_ =	shalt  }
0x7f: {  	_ =	shalt  }
0x80: {  	_ =	shalt  }
0x81: {  	_ =	shalt  }
0x82: {  	_ =	shalt  }
0x83: {  	_ =	shalt  }
0x84: {  	_ =	shalt  }
0x85: {  	_ =	shalt  }
0x86: {  	_ =	shalt  }
0x87: {  	_ =	shalt  }
.Lfunc_end0:
.L_simem_size_0:
called_computation.2_lowered:
.L_overlay_start_0:
0x88: {  	s2 =	sld [smem:$0x3FD9]  }
0x89: {  	s3 =	sld [smem:$0x3FFE];
	_ =	sdelay $0x1  }
0x8a: {  	s1 =	srdreg.scid  }
0x8b: {  	s0 =	sand.u32 $0x1, s1  }
0x8c: {  	s17 =	sshll.u32 s0, $0xA;
	s2 =	sadd.s32 s3, s2  }
0x8d: {  	s2 =	sadd.s32 s2, s17  }
0x8e: {  	[smem:$0x3FC2] =	sst s2  }
0x8f: {  	_ = 	snop  }
0x90: {  	s2 =	sld [smem:$0x3FD0];
	(tm) =	ssettm $0x1  }
0x91: {  	s18 =	sld [smem:$0x3FFB];
	_ =	sdelay $0x3  }
0x92: {  	_ =	strace s18  }
0x93: {  	s3 =	sld [smem:$0x3FFC];
	_ =	sdelay $0x3  }
0x94: {  	_ =	strace s3  }
0x95: {  	s3 =	sld [smem:$0x3FFD];
	_ =	sdelay $0x3  }
0x96: {  	_ =	strace s3  }
0x97: {  	_ =	strace $0x8FFFFFFF  }
0x98: {  	s19 =	sld [smem:$0x3FDB];
	_ =	sdelay $0x1  }
0x99: {  	s4 =	simm.s32 $_scs_section_size  }
0x9a: {  	s5 =	simm.s32 $_size__tile_overlayer_lowered;
	s6 =	simm.s32 $_tile_overlayer_lowered  }
0x9b: {  	s22 =	simm.s32 $0x1BFF;
	s21 =	sshll.u32 s6, $0x1;
	s3 =	sadd.s32 s4, s19  }
0x9c: {  	s7 =	simm.s32 $0x0;
	s20 =	sshll.u32 s5, $0x1;
	s5 =	sadd.s32 s21, s3  }
0x9d: {  	[timem:s7], [sflag:s22] =	dma.local [hbm:s5], s20  }
0x9e: {  	_ =	swait.ge [sflag:s22], s20  }
0x9f: {  	s4 =	ssub.s32 $0x0, s20;
	[sflag:s22] =	ssyncset.done $0x0  }
0xa0: {  	[sflag:s22] =	ssyncadd.s32 s4;
	_ =	sdelay $0x1  }
0xa1: {  	s23 =	simm.s32 $0x1B8B  }
0xa2: {  	_ =	swait.ge [sflag:s23], $0x1  }
0xa3: {  	[sflag:s23] =	ssyncset.done $0x0  }
0xa4: {  	s25 =	simm.s32 $0x1B8E;
	s24 =	sld [smem:$0x3FFE];
	[sflag:s23] =	ssyncadd.s32 $0xFFFFFFFF  }
0xa5: {  	s26 =	simm.s32 $execute0_lowered;
	[smem:$0x3FD2] =	sst s25  }
0xa6: {  	s5 =	sshll.u32 s26, $0x1;
	_ =	strace $0x8000004C;
	[dreg:$0x1] =	wrdreg $0xFFFFFFFF  }
0xa7: {  	s28 =	simm.s32 $_size_execute0_lowered;
	s3 =	sadd.s32 s3, s5;
	[dreg:$0x0] =	wrdreg $0x0  }
0xa8: {  	s5 =	sshll.u32 s28, $0x1;
	[dreg:$0x2] =	wrdreg s3  }
0xa9: {  	[dreg:$0x3] =	wrdreg s5  }
0xaa: {  	[dreg:$0x4] =	wrdreg $0xC0  }
0xab: {  	_ =	task [dreg:s7], $0x5FFFF  }
0xac: {  	[dreg:$0x1] =	wrdreg $0xFFFFFFFF  }
0xad: {  	[dreg:$0x0] =	wrdreg $0x60  }
0xae: {  	[dreg:$0x2] =	wrdreg s2  }
0xaf: {  	[dreg:$0x3] =	wrdreg s24  }
0xb0: {  	[dreg:$0x4] =	wrdreg $0x120000  }
0xb1: {  	[dreg:$0x5] =	wrdreg $0x9  }
0xb2: {  	_ =	task.clear_ibuf [dreg:s7], $0x6FFFF;
	_ =	strace $0x9000004C  }
0xb3: {  	s29 =	simm.s32 $0x9;
	_ =	strace $0x8000004E  }
0xb4: {  	_ =	swait.ge [sflag:s29], $0x1  }
0xb5: {  	[sflag:s29] =	ssyncadd.s32 $0xFFFFFFFF  }
0xb6: {  	_ =	strace $0x9000004E  }
0xb7: {  	_ =	sfence  }
0xb8: {  	s30 =	sld [smem:$0x0];
	_ =	sdelay $0x2  }
0xb9: {  	s31 =	sshll.u32 s1, $0xD;
	s1 =	sshrl.u32 s1, $0x2  }
0xba: {  	s3 =	sand.u32 $0x4000, s31;
	s1 =	sadd.s32 s1, s30  }
0xbb: {  	s0 =	sor.u32 s3, s0;
	s1 =	sshll.u32 s1, $0x11  }
0xbc: {  	s0 =	sor.u32 s1, s0  }
0xbd: {  	s0 =	sadd.s32 $0x8F2B, s0  }
0xbe: {  	[sflag:s0] =	ssyncadd.remote.s32 $0x1  }
0xbf: {  	_ =	sfence.sel $0xFFFF  }
0xc0: {  	[dreg:$0x0] =	wrdreg $0xFFFFFFFF;
	(pc) =	sbr.abs _section_cstart, $3  }
0xc1: {  	[dreg:$0x1] =	wrdreg $0xFFFFFFFF  }
0xc2: {  	_ =	task.clear_ibuf [dreg:s7], $0x2FFFF;
	_ =	strace $0x9FFFFFFF  }
0xc3: {  	(tm) =	ssettm $0x7FFFFFFF  }
tec
execute0_lowered:
.L_overlay_start_1:
0x0: {  	(tag) =	ssettag $0x1  }
0x1: {  	s1 =	rddreg [dreg:$0x0]  }
0x2: {  	s0 =	srdreg.scid;
	s2 =	rddreg [dreg:$0x1]  }
0x3: {  	s11 =	stileid.u32;
	s3 =	rddreg [dreg:$0x2]  }
0x4: {  	s4 =	simm.s32 $0x0;
	s13 =	simm.s32 $0x6;
	s14 =	simm.s32 $0x5  }
0x5: {  	s15 =	simm.s32 $0x80;
	s16 =	simm.s32 $0xA000;
	s17 =	simm.s32 $0xC000  }
0x6: {  	s18 =	simm.s32 $0x100;
	s19 =	simm.s32 $0xE000;
	s20 =	simm.s32 $0x180  }
0x7: {  	s21 =	simm.s32 $0x10000;
	s22 =	simm.s32 $0x1;
	s28 =	simm.s32 $0x9E80  }
0x8: {  	s29 =	simm.s32 $0x9F00;
	s30 =	simm.s32 $0x9F80;
	s5 =	smul.u32 $0x5000, s11  }
0x9: {  	s31 =	simm.s32 $0x0;
	s0 =	sand.u32 $0x1, s0;
	s7 =	smul.u32 $0x9E00, s11  }
0xa: {  	[smem:$0x7FF] =	sst s4;
	s26 =	sshll.u32 s11, $0x6;
	s6 =	smul.u32 $0x50000, s0  }
0xb: {  	s8 =	smul.u32 $0x9E000, s0;
	_ =	strace $0x8000004D;
	s0 =	ssub.s32 $0x2, s0  }
0xc: {  	s23 =	sshrl.u32 s7, $0x3;
	s25 =	sshrl.u32 s0, $0x1;
	s12 =	sadd.s32 s7, s3  }
0xd: {  	s6 =	sadd.s32 s5, s6;
	s5 =	sshrl.u32 s5, $0x3;
	s8 =	sadd.s32 s7, s8  }
0xe: {  	s10 =	sadd.s32 s23, s2;
	s0 =	ssub.s32 s0, s25;
	s12 =	sshrl.u32 s12, $0x3  }
0xf: {  	s23 =	simm.s32 $0x2;
	s25 =	simm.s32 $0x4;
	s6 =	sshrl.u32 s6, $0x3  }
0x10: {  	s9 =	sadd.s32 s5, s2;
	s24 =	sshrl.u32 s8, $0x3;
	s7 =	sadd.s32 $0x26400, s10  }
0x11: {  	s8 =	sor.u32 $0x1C06, s26;
	s10 =	smax.u32 s0, $0x1;
	s26 =	simm.s32 $0x9E00  }
0x12: {  	s6 =	sadd.s32 s6, s2;
	s2 =	sadd.s32 s24, s2;
	s24 =	simm.s32 $0x3  }
0x13: {  	s5 =	sadd.s32 $0x12400, s6;
	s6 =	sadd.s32 $0x3200, s9;
	s9 =	sadd.s32 $0x3A000, s2  }
.LBB2_1:
0x14: {  	[tilespmem:s4], [sflag:$0x5] =	stream.linear.gather [hbm4b:s5+s4], $0x5000, $0x38;
	[tilespmem:$0x1BE00] =	vst v63  }
0x15: {  	s0 =	simm.s32 $0x5000  }
0x16: {  	[tilespmem:s0], [sflag:$0x5] =	stream.linear.gather [hbm4b:s6+s4], $0x5000, $0x38;
	[tilespmem:$0x1BE00] =	vst v63  }
0x17: {  	[spmem:s12], [sflag:s8] =	dma.local [hbm:s7], $0x13C0  }
0x18: {  	_ =	swait.ge [sflag:s13], $0x13C0  }
0x19: {  	[sflag:s13] =	ssyncset.done $0x0  }
0x1a: {  	[sflag:s13] =	ssyncadd.s32 $0xFFFFEC40  }
0x1b: {  	_ =	swait.ge [sflag:s14], $0x5000  }
0x1c: {  	[sflag:s14] =	ssyncset.done $0x0  }
0x1d: {  	[sflag:s14] =	ssyncadd.s32 $0xFFFFB000  }
0x1e: {  	_ =	swait.ge [sflag:s14], $0x5000  }
0x1f: {  	[sflag:s14] =	ssyncset.done $0x0  }
0x20: {  	[sflag:s14] =	ssyncadd.s32 $0xFFFFB000  }
0x21: {  	[bflag:$0x0] =	sbarrier.arrive $0xFFFF  }
0x22: {  	[tilespmem:s16], [sflag:$0x1] =	stream.indirect.gather [hbm4b:s1+s15], $0x40, s4, s15, $0xb8;
	[tilespmem:$0x1BE00] =	vst v63  }
0x23: {  	_ = 	snop  }
0x24: {  	[tilespmem:s17], [sflag:$0x2] =	stream.indirect.gather [hbm4b:s1+s15], $0x40, s15, s15, $0xb8;
	[tilespmem:$0x1BE00] =	vst v63  }
0x25: {  	_ = 	snop  }
0x26: {  	[tilespmem:s19], [sflag:$0x3] =	stream.indirect.gather [hbm4b:s1+s15], $0x40, s18, s15, $0xb8;
	[tilespmem:$0x1BE00] =	vst v63  }
0x27: {  	_ = 	snop  }
0x28: {  	[tilespmem:s21], [sflag:$0x4] =	stream.indirect.gather [hbm4b:s1+s15], $0x40, s20, s15, $0xb8;
	[tilespmem:$0x1BE00] =	vst v63  }
0x29: {  	_ =	swait.ge [sflag:s22], $0x2000  }
0x2a: {  	[sflag:s22] =	ssyncset.done $0x0  }
0x2b: {  	s11 =	simm.s32 $0x5000;
	[sflag:s22] =	ssyncadd.s32 $0xFFFFE000  }
0x2c: {  	[spmem:s3] =	stream.indirect.scatter.add.f32 [tilespmem:s16], [sflag:$0x6], $0x40, s11, s15, $0xb8;
	[tilespmem:$0x1BE00] =	vst v63  }
0x2d: {  	_ =	swait.ge [sflag:s13], $0x2000  }
0x2e: {  	[sflag:s13] =	ssyncset.done $0x0  }
0x2f: {  	s2 =	simm.s32 $0x200;
	[sflag:s13] =	ssyncadd.s32 $0xFFFFE000  }
0x30: {  	[tilespmem:s16], [sflag:$0x1] =	stream.indirect.gather [hbm4b:s1+s15], $0x40, s2, s15, $0xb8;
	[tilespmem:$0x1BE00] =	vst v63  }
0x31: {  	_ =	swait.ge [sflag:s23], $0x2000  }
0x32: {  	[sflag:s23] =	ssyncset.done $0x0  }
0x33: {  	s11 =	simm.s32 $0x5080;
	[sflag:s23] =	ssyncadd.s32 $0xFFFFE000  }
0x34: {  	[spmem:s3] =	stream.indirect.scatter.add.f32 [tilespmem:s17], [sflag:$0x6], $0x40, s11, s15, $0xb8;
	[tilespmem:$0x1BE00] =	vst v63  }
0x35: {  	_ =	swait.ge [sflag:s13], $0x2000  }
0x36: {  	[sflag:s13] =	ssyncset.done $0x0  }
0x37: {  	s2 =	simm.s32 $0x280;
	[sflag:s13] =	ssyncadd.s32 $0xFFFFE000  }
0x38: {  	[tilespmem:s17], [sflag:$0x2] =	stream.indirect.gather [hbm4b:s1+s15], $0x40, s2, s15, $0xb8;
	[tilespmem:$0x1BE00] =	vst v63  }
0x39: {  	_ =	swait.ge [sflag:s24], $0x2000  }
0x3a: {  	[sflag:s24] =	ssyncset.done $0x0  }
0x3b: {  	s11 =	simm.s32 $0x5100;
	[sflag:s24] =	ssyncadd.s32 $0xFFFFE000  }
0x3c: {  	[spmem:s3] =	stream.indirect.scatter.add.f32 [tilespmem:s19], [sflag:$0x6], $0x40, s11, s15, $0xb8;
	[tilespmem:$0x1BE00] =	vst v63  }
0x3d: {  	_ =	swait.ge [sflag:s13], $0x2000  }
0x3e: {  	[sflag:s13] =	ssyncset.done $0x0  }
0x3f: {  	s2 =	simm.s32 $0x300;
	[sflag:s13] =	ssyncadd.s32 $0xFFFFE000  }
0x40: {  	[tilespmem:s19], [sflag:$0x3] =	stream.indirect.gather [hbm4b:s1+s15], $0x40, s2, s15, $0xb8;
	[tilespmem:$0x1BE00] =	vst v63  }
0x41: {  	_ =	swait.ge [sflag:s25], $0x2000  }
0x42: {  	[sflag:s25] =	ssyncset.done $0x0  }
0x43: {  	s11 =	simm.s32 $0x5180;
	[sflag:s25] =	ssyncadd.s32 $0xFFFFE000  }
0x44: {  	[spmem:s3] =	stream.indirect.scatter.add.f32 [tilespmem:s21], [sflag:$0x6], $0x40, s11, s15, $0xb8;
	[tilespmem:$0x1BE00] =	vst v63  }
0x45: {  	_ =	swait.ge [sflag:s13], $0x2000  }
0x46: {  	[sflag:s13] =	ssyncset.done $0x0  }
0x47: {  	s0 =	simm.s32 $0x380;
	s2 =	simm.s32 $0x800;
	[sflag:s13] =	ssyncadd.s32 $0xFFFFE000  }
.LBB2_2:
0x48: {  	[tilespmem:s21], [sflag:$0x4] =	stream.indirect.gather [hbm4b:s1+s15], $0x40, s0, s15, $0xb8;
	[tilespmem:$0x1BE00] =	vst v63  }
0x49: {  	s0 =	smov.u32 s2  }
0x4a: {  	p0 =	sne.s32 s2, $0x13000;
	s2 =	sadd.s32 $0x800, s2;
	_ =	swait.ge [sflag:s22], $0x2000  }
0x4b: {  	s0 =	sshra.s32 s0, $0x2;
	[sflag:s22] =	ssyncset.done $0x0  }
0x4c: {  	s11 =	sadd.s32 $0x5000, s0;
	[sflag:s22] =	ssyncadd.s32 $0xFFFFE000  }
0x4d: {  	[spmem:s3] =	stream.indirect.scatter.add.f32 [tilespmem:s16], [sflag:$0x6], $0x40, s11, s15, $0xb8;
	[tilespmem:$0x1BE00] =	vst v63  }
0x4e: {  	_ =	swait.ge [sflag:s13], $0x2000  }
0x4f: {  	[sflag:s13] =	ssyncset.done $0x0  }
0x50: {  	s11 =	sadd.s32 $0x200, s0;
	[sflag:s13] =	ssyncadd.s32 $0xFFFFE000  }
0x51: {  	[tilespmem:s16], [sflag:$0x1] =	stream.indirect.gather [hbm4b:s1+s15], $0x40, s11, s15, $0xb8;
	[tilespmem:$0x1BE00] =	vst v63  }
0x52: {  	_ =	swait.ge [sflag:s23], $0x2000  }
0x53: {  	[sflag:s23] =	ssyncset.done $0x0  }
0x54: {  	s11 =	sadd.s32 $0x5080, s0;
	[sflag:s23] =	ssyncadd.s32 $0xFFFFE000  }
0x55: {  	[spmem:s3] =	stream.indirect.scatter.add.f32 [tilespmem:s17], [sflag:$0x6], $0x40, s11, s15, $0xb8;
	[tilespmem:$0x1BE00] =	vst v63  }
0x56: {  	_ =	swait.ge [sflag:s13], $0x2000  }
0x57: {  	[sflag:s13] =	ssyncset.done $0x0  }
0x58: {  	s11 =	sadd.s32 $0x280, s0;
	[sflag:s13] =	ssyncadd.s32 $0xFFFFE000  }
0x59: {  	[tilespmem:s17], [sflag:$0x2] =	stream.indirect.gather [hbm4b:s1+s15], $0x40, s11, s15, $0xb8;
	[tilespmem:$0x1BE00] =	vst v63  }
0x5a: {  	_ =	swait.ge [sflag:s24], $0x2000  }
0x5b: {  	[sflag:s24] =	ssyncset.done $0x0  }
0x5c: {  	s11 =	sadd.s32 $0x5100, s0;
	[sflag:s24] =	ssyncadd.s32 $0xFFFFE000  }
0x5d: {  	[spmem:s3] =	stream.indirect.scatter.add.f32 [tilespmem:s19], [sflag:$0x6], $0x40, s11, s15, $0xb8;
	[tilespmem:$0x1BE00] =	vst v63  }
0x5e: {  	_ =	swait.ge [sflag:s13], $0x2000  }
0x5f: {  	[sflag:s13] =	ssyncset.done $0x0  }
0x60: {  	s11 =	sadd.s32 $0x300, s0;
	[sflag:s13] =	ssyncadd.s32 $0xFFFFE000  }
0x61: {  	[tilespmem:s19], [sflag:$0x3] =	stream.indirect.gather [hbm4b:s1+s15], $0x40, s11, s15, $0xb8;
	[tilespmem:$0x1BE00] =	vst v63  }
0x62: {  	_ =	swait.ge [sflag:s25], $0x2000  }
0x63: {  	[sflag:s25] =	ssyncset.done $0x0  }
.Ltmp0:
0x64: {  	s11 =	sadd.s32 $0x5180, s0;
	[sflag:s25] =	ssyncadd.s32 $0xFFFFE000;
	(pc) =	sbr.rel @p0 .LBB2_2-.Ltmp0, $4  }
0x65: {  	[spmem:s3] =	stream.indirect.scatter.add.f32 [tilespmem:s21], [sflag:$0x6], $0x40, s11, s15, $0xb8;
	[tilespmem:$0x1BE00] =	vst v63  }
0x66: {  	_ =	swait.ge [sflag:s13], $0x2000  }
0x67: {  	[sflag:s13] =	ssyncset.done $0x0  }
0x68: {  	s0 =	sadd.s32 $0x380, s0;
	[sflag:s13] =	ssyncadd.s32 $0xFFFFE000  }
0x69: {  	[tilespmem:s21], [sflag:$0x4] =	stream.indirect.gather [hbm4b:s1+s15], $0x40, s0, s15, $0xb8;
	[tilespmem:$0x1BE00] =	vst v63  }
0x6a: {  	_ =	swait.ge [sflag:s22], $0x2000  }
0x6b: {  	[sflag:s22] =	ssyncset.done $0x0  }
0x6c: {  	[sflag:s22] =	ssyncadd.s32 $0xFFFFE000  }
0x6d: {  	[spmem:s3] =	stream.indirect.scatter.add.f32 [tilespmem:s16], [sflag:$0x6], $0x40, s26, s15, $0xb8;
	[tilespmem:$0x1BE00] =	vst v63  }
0x6e: {  	_ =	swait.ge [sflag:s13], $0x2000  }
0x6f: {  	[sflag:s13] =	ssyncset.done $0x0  }
0x70: {  	[sflag:s13] =	ssyncadd.s32 $0xFFFFE000  }
0x71: {  	_ =	swait.ge [sflag:s23], $0x2000  }
0x72: {  	[sflag:s23] =	ssyncset.done $0x0  }
0x73: {  	[sflag:s23] =	ssyncadd.s32 $0xFFFFE000  }
0x74: {  	[spmem:s3] =	stream.indirect.scatter.add.f32 [tilespmem:s17], [sflag:$0x6], $0x40, s28, s15, $0xb8;
	[tilespmem:$0x1BE00] =	vst v63  }
0x75: {  	_ =	swait.ge [sflag:s13], $0x2000  }
0x76: {  	[sflag:s13] =	ssyncset.done $0x0  }
0x77: {  	[sflag:s13] =	ssyncadd.s32 $0xFFFFE000  }
0x78: {  	_ =	swait.ge [sflag:s24], $0x2000  }
0x79: {  	[sflag:s24] =	ssyncset.done $0x0  }
0x7a: {  	[sflag:s24] =	ssyncadd.s32 $0xFFFFE000  }
0x7b: {  	[spmem:s3] =	stream.indirect.scatter.add.f32 [tilespmem:s19], [sflag:$0x6], $0x40, s29, s15, $0xb8;
	[tilespmem:$0x1BE00] =	vst v63  }
0x7c: {  	_ =	swait.ge [sflag:s13], $0x2000  }
0x7d: {  	[sflag:s13] =	ssyncset.done $0x0  }
0x7e: {  	[sflag:s13] =	ssyncadd.s32 $0xFFFFE000  }
0x7f: {  	_ =	swait.ge [sflag:s25], $0x2000  }
0x80: {  	[sflag:s25] =	ssyncset.done $0x0  }
0x81: {  	[sflag:s25] =	ssyncadd.s32 $0xFFFFE000  }
0x82: {  	[spmem:s3] =	stream.indirect.scatter.add.f32 [tilespmem:s21], [sflag:$0x6], $0x40, s30, s15, $0xb8;
	[tilespmem:$0x1BE00] =	vst v63  }
0x83: {  	_ =	swait.ge [sflag:s13], $0x2000  }
0x84: {  	s31 =	sadd.s32 $0x1, s31;
	[sflag:s13] =	ssyncset.done $0x0  }
0x85: {  	p0 =	sne.s32 s31, s10;
	[sflag:s13] =	ssyncadd.s32 $0xFFFFE000  }
.Ltmp1:
0x86: {  	[bflag:$0x0] =	sbarrier.arrive $0xFFFF;
	(pc) =	sbr.rel @p0 .LBB2_1-.Ltmp1, $4  }
0x87: {  	[hbm:s9], [sflag:s8] =	dma.local [spmem:s12], $0x13C0  }
0x88: {  	_ =	swait.ge [sflag:s13], $0x13C0  }
0x89: {  	[sflag:s13] =	ssyncset.done $0x0  }
0x8a: {  	[sflag:s13] =	ssyncadd.s32 $0xFFFFEC40  }
0x8b: {  	_ =	sfence.sel $0x180000  }
0x8c: {  	[bflag:$0x0] =	sbarrier.arrive $0xFFFF  }
0x8d: {  	_ =	strace $0x9000004D  }
0x8e: {  	s0 =	stileid.u32;
	[bflag:$0x2] =	sbarrier.arrive $0xFFFF  }
0x8f: {  	p0 =	sne.s32 s0, $0x0;
	s0 =	rddreg [dreg:$0x3]  }
0x90: {  	s0 =	sadd.s32 @!p0 $0x100000, s0  }
0x91: {  	[sflag:s0] =	ssyncadd.tile.s32 @!p0 $0x1;
	_ =	shalt  }
.Lfunc_end2:
_tile_overlayer_lowered:
.L_overlay_start_2:
0x92: {  	(tag) =	ssettag $0x2  }
0x93: {  	s0 =	rddreg [dreg:$0x0];
	s2 =	stileid.u32  }
0x94: {  	s1 =	rddreg [dreg:$0x1];
	p0 =	sne.s32 s2, $0x0  }
0x95: {  	s3 =	rddreg [dreg:$0x2];
	[bflag:$0x3] =	sbarrier.arrive $0xFFFF;
	s2 =	simm.s32 @!p0 $0x1C06  }
0x96: {  	[timem:s3], [sflag:s2] =	dma.local @!p0 [hbm:s0], s1  }
0x97: {  	s0 =	simm.s32 @!p0 $0x6  }
0x98: {  	_ =	swait.ge @!p0 [sflag:s0], s1  }
0x99: {  	s1 =	ssub.s32 @!p0 $0x0, s1;
	[sflag:s0] =	ssyncset.done @!p0 $0x0  }
0x9a: {  	[sflag:s0] =	ssyncadd.s32 @!p0 s1  }
0x9b: {  	[bflag:$0x3] =	sbarrier.arrive $0xFFFF  }
0x9c: {  	_ =	shalt  }

// kernel: kernel.9.cloned.1.call-start
scs
__scs_entry_jumppad:
0x0: {  	(pc) =	sbr.rel $0x88, $3  }
0x1: {  	(tag) =	ssettag $0x0;
	lr =	simm.s32 $0x1  }
0x2: {  	[smem:$0x3F9B] =	sst lr;
	_ =	strace $0xD0000000  }
0x3: {  	_ = 	snop  }
0x4: {  	_ = 	snop  }
0x5: {  	_ = 	snop  }
0x6: {  	_ = 	snop  }
0x7: {  	_ = 	snop  }
__scs_overlays_trampoline_lowered:
0x8: {  	[smem:$0x3FAA] =	sst s0  }
0x9: {  	[smem:$0x3FAB] =	sst s1  }
0xa: {  	[smem:$0x3FAC] =	sst s2  }
0xb: {  	[smem:$0x3FAD] =	sst s3  }
0xc: {  	[smem:$0x3FAE] =	sst s4  }
0xd: {  	[smem:$0x3FAF] =	sst s5  }
0xe: {  	[smem:$0x3FB0] =	sst s6  }
0xf: {  	[smem:$0x3FB1] =	sst s7  }
0x10: {  	[smem:$0x3FB2] =	sst s8  }
0x11: {  	[smem:$0x3FB3] =	sst s9;
	s0 =	simm.s32 @!p0 $0x0  }
0x12: {  	s1 =	sld [smem:$0x3F99];
	s0 =	simm.s32 @p0 $0x1  }
0x13: {  	[smem:$0x3FB4] =	sst s0;
	s0 =	simm.s32 @!p1 $0x0  }
0x14: {  	s2 =	sld [smem:$0x3F98];
	s0 =	simm.s32 @p1 $0x1  }
0x15: {  	[smem:$0x3FB5] =	sst s0;
	s0 =	simm.s32 @!p2 $0x0  }
0x16: {  	s3 =	sld [smem:$0x3FDB];
	s0 =	simm.s32 @p2 $0x1  }
0x17: {  	s4 =	simm.s32 $0x1BF5;
	[smem:$0x3FB7] =	sst s0  }
0x18: {  	s0 =	sld [smem:$0x3F9A];
	_ =	swait.ge [sflag:s4], $0x0  }
0x19: {  	s7 =	sld [smem:$0x3F9B]  }
0x1a: {  	s8 =	sadd.s32 $0xFFFFE003, lr  }
0x1b: {  	s9 =	sadd.s32 $0xFFFFFEF7, lr;
	s5 =	simm.s32 $0xFFFFFFFF;
	p2 =	slt.u32 s8, $0xFFFFF086  }
0x1c: {  	p1 =	slt.u32 s9, $0xF7A;
	s5 =	simm.s32 @!p2 $0x0  }
0x1d: {  	s5 =	simm.s32 @p1 $0x1;
	p0 =	seq.s32 s7, s2  }
0x1e: {  	s7 =	smul.u32 @!p0 $0xF7A, s2;
	p2 =	seq.s32 @!p0 s5, $0x0  }
0x1f: {  	s9 =	smul.u32 $0xF7A, s1;
	s8 =	simm.s32 @!p0 $0x1BF5;
	p2 =	por !p2, p0  }
0x20: {  	[sflag:s8] =	ssyncset.s32 @!p0 $0xFFFFF086;
	s6 =	sadd.s32 @!p0 s3, s7;
	s7 =	simm.s32 @!p0 $0x108  }
0x21: {  	s3 =	sadd.s32 s3, s9;
	s6 =	sadd.s32 @!p0 $0x88, s6;
	s7 =	simm.s32 @p2 $0x1082  }
0x22: {  	[simem:s7], [sflag:s8] =	dma.local @!p0 [hbm:s6], $0xF7A  }
0x23: {  	s9 =	sor.u32 $0xD0000000, s2;
	s6 =	simm.s32 $0x108;
	_ =	swait.ge @!p0 [sflag:s8], $0x0  }
0x24: {  	s3 =	sadd.s32 $0x88, s3;
	s6 =	simm.s32 @!p1 $0x1082;
	[sflag:s4] =	ssyncset.s32 $0xFFFFF086  }
0x25: {  	[simem:s6], [sflag:s4] =	dma.local [hbm:s3], $0xF7A  }
0x26: {  	[smem:$0x3F9B] =	sst s1;
	(tag) =	ssettag s2;
	_ =	strace s9  }
0x27: {  	s1 =	sld [smem:$0x3FAB]  }
0x28: {  	s2 =	sld [smem:$0x3FAC]  }
0x29: {  	s4 =	sld [smem:$0x3FAE]  }
0x2a: {  	p0 =	seq.s32 s5, $0x0;
	s5 =	sld [smem:$0x3FAF]  }
0x2b: {  	s6 =	sld [smem:$0x3FB0]  }
0x2c: {  	s7 =	sld [smem:$0x3FB1]  }
0x2d: {  	s3 =	simm.s32 $0x108;
	s8 =	sld [smem:$0x3FB2]  }
0x2e: {  	s3 =	simm.s32 @!p0 $0x1082;
	s9 =	sld [smem:$0x3FB3]  }
0x2f: {  	lr =	sadd.s32 s0, s3;
	s0 =	sld [smem:$0x3FAA]  }
0x30: {  	s3 =	sld [smem:$0x3FAD]  }
0x31: {  	[smem:$0x3FB6] =	sst s10  }
0x32: {  	s10 =	sld [smem:$0x3FB4];
	_ =	sdelay $0x3  }
0x33: {  	p0 =	seq.s32 s10, $0x1;
	s10 =	sld [smem:$0x3FB6];
	_ =	sdelay $0x3  }
0x34: {  	[smem:$0x3FB6] =	sst s10  }
0x35: {  	s10 =	sld [smem:$0x3FB5];
	_ =	sdelay $0x3  }
0x36: {  	p1 =	seq.s32 s10, $0x1;
	s10 =	sld [smem:$0x3FB6];
	_ =	sdelay $0x3  }
0x37: {  	[smem:$0x3FB6] =	sst s10  }
0x38: {  	s10 =	sld [smem:$0x3FB7]  }
0x39: {  	_ = 	snop;
	(pc) =	sbr.ind lr, $3  }
0x3a: {  	_ = 	snop  }
0x3b: {  	_ = 	snop  }
0x3c: {  	p2 =	seq.s32 s10, $0x1;
	s10 =	sld [smem:$0x3FB6]  }
0x3d: {  	_ =	shalt  }
0x3e: {  	_ =	shalt  }
0x3f: {  	_ =	shalt  }
0x40: {  	_ =	shalt  }
0x41: {  	_ =	shalt  }
0x42: {  	_ =	shalt  }
0x43: {  	_ =	shalt  }
0x44: {  	_ =	shalt  }
0x45: {  	_ =	shalt  }
0x46: {  	_ =	shalt  }
0x47: {  	_ =	shalt  }
0x48: {  	_ =	shalt  }
0x49: {  	_ =	shalt  }
0x4a: {  	_ =	shalt  }
0x4b: {  	_ =	shalt  }
0x4c: {  	_ =	shalt  }
0x4d: {  	_ =	shalt  }
0x4e: {  	_ =	shalt  }
0x4f: {  	_ =	shalt  }
0x50: {  	_ =	shalt  }
0x51: {  	_ =	shalt  }
0x52: {  	_ =	shalt  }
0x53: {  	_ =	shalt  }
0x54: {  	_ =	shalt  }
0x55: {  	_ =	shalt  }
0x56: {  	_ =	shalt  }
0x57: {  	_ =	shalt  }
0x58: {  	_ =	shalt  }
0x59: {  	_ =	shalt  }
0x5a: {  	_ =	shalt  }
0x5b: {  	_ =	shalt  }
0x5c: {  	_ =	shalt  }
0x5d: {  	_ =	shalt  }
0x5e: {  	_ =	shalt  }
0x5f: {  	_ =	shalt  }
0x60: {  	_ =	shalt  }
0x61: {  	_ =	shalt  }
0x62: {  	_ =	shalt  }
0x63: {  	_ =	shalt  }
0x64: {  	_ =	shalt  }
0x65: {  	_ =	shalt  }
0x66: {  	_ =	shalt  }
0x67: {  	_ =	shalt  }
0x68: {  	_ =	shalt  }
0x69: {  	_ =	shalt  }
0x6a: {  	_ =	shalt  }
0x6b: {  	_ =	shalt  }
0x6c: {  	_ =	shalt  }
0x6d: {  	_ =	shalt  }
0x6e: {  	_ =	shalt  }
0x6f: {  	_ =	shalt  }
0x70: {  	_ =	shalt  }
0x71: {  	_ =	shalt  }
0x72: {  	_ =	shalt  }
0x73: {  	_ =	shalt  }
0x74: {  	_ =	shalt  }
0x75: {  	_ =	shalt  }
0x76: {  	_ =	shalt  }
0x77: {  	_ =	shalt  }
0x78: {  	_ =	shalt  }
0x79: {  	_ =	shalt  }
0x7a: {  	_ =	shalt  }
0x7b: {  	_ =	shalt  }
0x7c: {  	_ =	shalt  }
0x7d: {  	_ =	shalt  }
0x7e: {  	_ =	shalt  }
0x7f: {  	_ =	shalt  }
0x80: {  	_ =	shalt  }
0x81: {  	_ =	shalt  }
0x82: {  	_ =	shalt  }
0x83: {  	_ =	shalt  }
0x84: {  	_ =	shalt  }
0x85: {  	_ =	shalt  }
0x86: {  	_ =	shalt  }
0x87: {  	_ =	shalt  }
.Lfunc_end0:
.L_simem_size_0:
called_computation_lowered:
.L_overlay_start_0:
0x88: {  	s2 =	sld [smem:$0x3FD9]  }
0x89: {  	s3 =	sld [smem:$0x3FFE];
	_ =	sdelay $0x1  }
0x8a: {  	s1 =	srdreg.scid  }
0x8b: {  	s0 =	sand.u32 $0x1, s1  }
0x8c: {  	s17 =	sshll.u32 s0, $0xA;
	s2 =	sadd.s32 s3, s2  }
0x8d: {  	s2 =	sadd.s32 s2, s17  }
0x8e: {  	[smem:$0x3FC2] =	sst s2  }
0x8f: {  	_ = 	snop  }
0x90: {  	s2 =	sld [smem:$0x3FD0];
	(tm) =	ssettm $0x1  }
0x91: {  	s18 =	sld [smem:$0x3FFB];
	_ =	sdelay $0x3  }
0x92: {  	_ =	strace s18  }
0x93: {  	s3 =	sld [smem:$0x3FFC];
	_ =	sdelay $0x3  }
0x94: {  	_ =	strace s3  }
0x95: {  	s3 =	sld [smem:$0x3FFD];
	_ =	sdelay $0x3  }
0x96: {  	_ =	strace s3  }
0x97: {  	_ =	strace $0x8FFFFFFF  }
0x98: {  	s19 =	sld [smem:$0x3FDB];
	_ =	sdelay $0x1  }
0x99: {  	s4 =	simm.s32 $_scs_section_size  }
0x9a: {  	s5 =	simm.s32 $_size__tile_overlayer_lowered;
	s6 =	simm.s32 $_tile_overlayer_lowered  }
0x9b: {  	s22 =	simm.s32 $0x1BFF;
	s21 =	sshll.u32 s6, $0x1;
	s3 =	sadd.s32 s4, s19  }
0x9c: {  	s7 =	simm.s32 $0x0;
	s20 =	sshll.u32 s5, $0x1;
	s5 =	sadd.s32 s21, s3  }
0x9d: {  	[timem:s7], [sflag:s22] =	dma.local [hbm:s5], s20  }
0x9e: {  	_ =	swait.ge [sflag:s22], s20  }
0x9f: {  	s4 =	ssub.s32 $0x0, s20;
	[sflag:s22] =	ssyncset.done $0x0  }
0xa0: {  	[sflag:s22] =	ssyncadd.s32 s4;
	_ =	sdelay $0x1  }
0xa1: {  	s23 =	simm.s32 $0x1B8B  }
0xa2: {  	_ =	swait.ge [sflag:s23], $0x1  }
0xa3: {  	[sflag:s23] =	ssyncset.done $0x0  }
0xa4: {  	s25 =	simm.s32 $0x1B8E;
	s24 =	sld [smem:$0x3FFE];
	[sflag:s23] =	ssyncadd.s32 $0xFFFFFFFF  }
0xa5: {  	s26 =	simm.s32 $execute0_lowered;
	[smem:$0x3FD2] =	sst s25  }
0xa6: {  	s5 =	sshll.u32 s26, $0x1;
	_ =	strace $0x80000046;
	[dreg:$0x1] =	wrdreg $0xFFFFFFFF  }
0xa7: {  	s28 =	simm.s32 $_size_execute0_lowered;
	s3 =	sadd.s32 s3, s5;
	[dreg:$0x0] =	wrdreg $0x0  }
0xa8: {  	s5 =	sshll.u32 s28, $0x1;
	[dreg:$0x2] =	wrdreg s3  }
0xa9: {  	[dreg:$0x3] =	wrdreg s5  }
0xaa: {  	[dreg:$0x4] =	wrdreg $0xC0  }
0xab: {  	_ =	task [dreg:s7], $0x5FFFF  }
0xac: {  	[dreg:$0x1] =	wrdreg $0xFFFFFFFF  }
0xad: {  	[dreg:$0x0] =	wrdreg $0x60  }
0xae: {  	[dreg:$0x2] =	wrdreg s24  }
0xaf: {  	[dreg:$0x3] =	wrdreg s2  }
0xb0: {  	[dreg:$0x4] =	wrdreg $0x30000  }
0xb1: {  	[dreg:$0x5] =	wrdreg $0x9  }
0xb2: {  	_ =	task.clear_ibuf [dreg:s7], $0x6FFFF;
	_ =	strace $0x90000046  }
0xb3: {  	s29 =	simm.s32 $0x9;
	_ =	strace $0x80000048  }
0xb4: {  	_ =	swait.ge [sflag:s29], $0x1  }
0xb5: {  	[sflag:s29] =	ssyncadd.s32 $0xFFFFFFFF  }
0xb6: {  	_ =	strace $0x90000048  }
0xb7: {  	_ =	sfence  }
0xb8: {  	s30 =	sld [smem:$0x0];
	_ =	sdelay $0x2  }
0xb9: {  	s31 =	sshll.u32 s1, $0xD;
	s1 =	sshrl.u32 s1, $0x2  }
0xba: {  	s3 =	sand.u32 $0x4000, s31;
	s1 =	sadd.s32 s1, s30  }
0xbb: {  	s0 =	sor.u32 s3, s0;
	s1 =	sshll.u32 s1, $0x11  }
0xbc: {  	s0 =	sor.u32 s1, s0  }
0xbd: {  	s0 =	sadd.s32 $0x8F2B, s0  }
0xbe: {  	[sflag:s0] =	ssyncadd.remote.s32 $0x1  }
0xbf: {  	_ =	sfence.sel $0xFFFF  }
0xc0: {  	[dreg:$0x0] =	wrdreg $0xFFFFFFFF;
	(pc) =	sbr.abs _section_cstart, $3  }
0xc1: {  	[dreg:$0x1] =	wrdreg $0xFFFFFFFF  }
0xc2: {  	_ =	task.clear_ibuf [dreg:s7], $0x2FFFF;
	_ =	strace $0x9FFFFFFF  }
0xc3: {  	(tm) =	ssettm $0x7FFFFFFF  }
tec
execute0_lowered:
.L_overlay_start_1:
0x0: {  	(tag) =	ssettag $0x1  }
0x1: {  	s4 =	rddreg [dreg:$0x0]  }
0x2: {  	s7 =	rddreg [dreg:$0x1]  }
0x3: {  	s0 =	srdreg.scid;
	s2 =	rddreg [dreg:$0x2]  }
0x4: {  	s1 =	stileid.u32;
	s3 =	simm.s32 $0x0;
	s13 =	simm.s32 $0x1  }
0x5: {  	s14 =	simm.s32 $0x80;
	s5 =	sand.u32 $0x1, s0;
	s0 =	rddreg [dreg:$0x3]  }
0x6: {  	s15 =	simm.s32 $0x0;
	s8 =	smul.u32 $0x2780, s1;
	[smem:$0x7FF] =	sst s3  }
0x7: {  	s31 =	sshll.u32 s1, $0x6;
	s6 =	sshll.u32 s5, $0x4;
	_ =	strace $0x80000047  }
0x8: {  	s10 =	smul.u32 $0x27800, s5;
	s5 =	ssub.s32 $0x2, s5;
	s6 =	sor.u32 s1, s6  }
0x9: {  	s9 =	sshrl.u32 s8, $0x3;
	s11 =	sshrl.u32 s5, $0x1;
	s12 =	sadd.s32 s8, s2  }
0xa: {  	s6 =	smul.u32 $0x500, s6;
	s9 =	sadd.s32 s9, s4;
	s10 =	sadd.s32 s8, s10  }
0xb: {  	s11 =	ssub.s32 s5, s11;
	s12 =	sshrl.u32 s12, $0x3;
	s10 =	sshrl.u32 s10, $0x3  }
0xc: {  	s8 =	smax.u32 s11, $0x1;
	s11 =	sor.u32 $0x1C02, s31;
	s6 =	sadd.s32 s6, s4  }
0xd: {  	s4 =	sadd.s32 $0xD200, s4;
	s7 =	sadd.s32 s7, s10;
	s10 =	simm.s32 $0x2  }
0xe: {  	s5 =	sadd.s32 $0x3200, s6;
	s6 =	sadd.s32 $0xD400, s9;
	s9 =	simm.s32 $0x2800  }
.LBB2_1:
0xf: {  	[tilespmem:s3], [sflag:$0x1] =	stream.linear.gather [hbm4b:s5+s3], $0x2800, $0x38;
	[tilespmem:$0x5780] =	vst v63  }
0x10: {  	_ = 	snop  }
0x11: {  	[tilespmem:s9], [sflag:$0x2] =	stream.linear.gather [hbm4b:s4+s3], $0x800, $0x38;
	[tilespmem:$0x5780] =	vst v63  }
0x12: {  	_ =	swait.ge [sflag:s10], $0x800  }
0x13: {  	[sflag:s10] =	ssyncset.done $0x0  }
0x14: {  	[sflag:s10] =	ssyncadd.s32 $0xFFFFF800  }
0x15: {  	[spmem:s12], [sflag:s11] =	dma.local [hbm:s6], $0x4F0  }
0x16: {  	_ =	swait.ge [sflag:s10], $0x4F0  }
0x17: {  	[sflag:s10] =	ssyncset.done $0x0  }
0x18: {  	[sflag:s10] =	ssyncadd.s32 $0xFFFFFB10  }
0x19: {  	_ =	swait.ge [sflag:s13], $0x2800  }
0x1a: {  	[sflag:s13] =	ssyncset.done $0x0  }
0x1b: {  	[sflag:s13] =	ssyncadd.s32 $0xFFFFD800  }
0x1c: {  	s16 =	simm.s32 $0x0;
	[bflag:$0x0] =	sbarrier.arrive $0xFFFF  }
0x1d: {  	[spmem:s2] =	stream.indirect.scatter.add.f32 [tilespmem:s9], [sflag:$0x2], $0x10, s16, s14, $0xb8;
	[tilespmem:$0x5780] =	vst v63  }
0x1e: {  	_ =	swait.ge [sflag:s10], $0x800  }
0x1f: {  	s16 =	simm.s32 $0x200;
	[sflag:s10] =	ssyncset.done $0x0  }
.LBB2_2:
0x20: {  	s17 =	sshra.s32 s16, $0x2;
	[sflag:s10] =	ssyncadd.s32 $0xFFFFF800;
	p0 =	sne.s32 s16, $0x9E00  }
0x21: {  	[spmem:s2] =	stream.indirect.scatter.add.f32 [tilespmem:s9], [sflag:$0x2], $0x10, s17, s14, $0xb8;
	[tilespmem:$0x5780] =	vst v63  }
.Ltmp0:
0x22: {  	_ = 	snop;
	(pc) =	sbr.rel @p0 .LBB2_2-.Ltmp0, $4  }
0x23: {  	_ = 	snop  }
0x24: {  	s16 =	sadd.s32 $0x200, s16  }
0x25: {  	_ =	swait.ge [sflag:s10], $0x800  }
0x26: {  	[sflag:s10] =	ssyncset.done $0x0  }
0x27: {  	s15 =	sadd.s32 $0x1, s15  }
0x28: {  	[sflag:s10] =	ssyncadd.s32 $0xFFFFF800;
	p0 =	sne.s32 s15, s8  }
.Ltmp1:
0x29: {  	[bflag:$0x0] =	sbarrier.arrive $0xFFFF;
	(pc) =	sbr.rel @p0 .LBB2_1-.Ltmp1, $4  }
0x2a: {  	[hbm:s7], [sflag:s11] =	dma.local [spmem:s12], $0x4F0  }
0x2b: {  	_ =	swait.ge [sflag:s10], $0x4F0  }
0x2c: {  	[sflag:s10] =	ssyncset.done $0x0  }
0x2d: {  	[sflag:s10] =	ssyncadd.s32 $0xFFFFFB10  }
0x2e: {  	_ =	sfence.sel $0x180000  }
0x2f: {  	[bflag:$0x0] =	sbarrier.arrive $0xFFFF  }
0x30: {  	p0 =	sne.s32 s1, $0x0;
	_ =	strace $0x90000047  }
0x31: {  	s0 =	sadd.s32 @!p0 $0x100000, s0;
	[bflag:$0x2] =	sbarrier.arrive $0xFFFF  }
0x32: {  	[sflag:s0] =	ssyncadd.tile.s32 @!p0 $0x1;
	_ =	shalt  }
.Lfunc_end2:
_tile_overlayer_lowered:
.L_overlay_start_2:
0x33: {  	(tag) =	ssettag $0x2  }
0x34: {  	s0 =	rddreg [dreg:$0x0];
	s2 =	stileid.u32  }
0x35: {  	s1 =	rddreg [dreg:$0x1];
	p0 =	sne.s32 s2, $0x0  }
0x36: {  	s3 =	rddreg [dreg:$0x2];
	[bflag:$0x3] =	sbarrier.arrive $0xFFFF;
	s2 =	simm.s32 @!p0 $0x1C02  }
0x37: {  	[timem:s3], [sflag:s2] =	dma.local @!p0 [hbm:s0], s1  }
0x38: {  	s0 =	simm.s32 @!p0 $0x2  }
0x39: {  	_ =	swait.ge @!p0 [sflag:s0], s1  }
0x3a: {  	s1 =	ssub.s32 @!p0 $0x0, s1;
	[sflag:s0] =	ssyncset.done @!p0 $0x0  }
0x3b: {  	[sflag:s0] =	ssyncadd.s32 @!p0 s1  }
0x3c: {  	[bflag:$0x3] =	sbarrier.arrive $0xFFFF  }
0x3d: {  	_ =	shalt  }

</sc_bundles>
